<compile_context>
chip_gen: v7x
topology: tpu7x:2x2x1
jax: 0.10.2.dev20260603
libtpu: 0.0.44.dev20260713+nightly
codegen_flags: <defaults>
</compile_context>

<pallas_src>
import jax
import jax.numpy as jnp
from jax import lax
from jax.experimental import pallas as pl
from jax.experimental.pallas import tpu as pltpu
from jax.experimental.pallas import tpu_sc as plsc

NS = 16
CK = 80
NBUF = 2


def _sc_segment_sum(n_pad, rows_per_sub, ch):
  mesh = plsc.VectorSubcoreMesh(core_axis_name="c", subcore_axis_name="s")

  def body(xlo_hbm, xhi_hbm, src_hbm, dst_hbm, outlo_hbm, outhi_hbm,
           zbuf, srcv, dstv, r0, r1, acc, sg0, sg1):
    rows = (r0, r1)
    sg = (sg0, sg1)
    cid = lax.axis_index("c")
    sid = lax.axis_index("s")

    zero16 = jnp.zeros((16,), jnp.float32)
    zrows = rows_per_sub // 8

    def zbody(i, _):
      for j in range(4):
        zbuf[i, pl.ds(j * 16, 16)] = zero16
      return 0

    pltpu.async_copy(src_hbm.at[sid], srcv, sg0)
    pltpu.async_copy(dst_hbm.at[sid], dstv, sg1)
    lax.fori_loop(0, zrows, zbody, 0)
    for j in range(8):
      pltpu.sync_copy(zbuf, acc.at[pl.ds(sid * rows_per_sub + j * zrows, zrows)])
    pltpu.make_async_copy(src_hbm.at[sid], srcv, sg0).wait()
    pltpu.make_async_copy(dst_hbm.at[sid], dstv, sg1).wait()
    plsc.subcore_barrier()

    def run(x_ref):
      for b in range(NBUF):
        pltpu.async_copy(x_ref.at[srcv.at[b]], rows[b], sg[b])

      def gbody(g, _):
        c0 = g * NBUF
        for b in range(NBUF):
          c = c0 + b
          pltpu.make_async_copy(x_ref.at[srcv.at[c]], rows[b], sg[b]).wait()
          pltpu.sync_copy(rows[b], acc.at[dstv.at[c]], add=True)
          pltpu.async_copy(x_ref.at[srcv.at[c + NBUF]], rows[b], sg[b])
        return 0

      lax.fori_loop(0, ch // NBUF - 1, gbody, 0)
      c0 = ch - NBUF
      for b in range(NBUF):
        c = c0 + b
        pltpu.make_async_copy(x_ref.at[srcv.at[c]], rows[b], sg[b]).wait()
        pltpu.sync_copy(rows[b], acc.at[dstv.at[c]], add=True)

    pl.when(cid == 0)(lambda: run(xlo_hbm))
    pl.when(cid == 1)(lambda: run(xhi_hbm))
    plsc.subcore_barrier()

    sl = pl.ds(sid * rows_per_sub, rows_per_sub)
    pl.when(cid == 0)(lambda: pltpu.sync_copy(acc.at[sl], outlo_hbm.at[sl]))
    pl.when(cid == 1)(lambda: pltpu.sync_copy(acc.at[sl], outhi_hbm.at[sl]))

  return pl.kernel(
      body,
      out_type=(
          jax.ShapeDtypeStruct((n_pad, 64), jnp.float32),
          jax.ShapeDtypeStruct((n_pad, 64), jnp.float32),
      ),
      mesh=mesh,
      compiler_params=pltpu.CompilerParams(use_tc_tiling_on_sc=False),
      scratch_types=[
          pltpu.VMEM((rows_per_sub // 8, 64), jnp.float32),
          pltpu.VMEM((ch, CK), jnp.int32),
          pltpu.VMEM((ch, CK), jnp.int32),
          pltpu.VMEM((CK, 64), jnp.float32),
          pltpu.VMEM((CK, 64), jnp.float32),
          pltpu.VMEM_SHARED((n_pad, 64), jnp.float32),
          pltpu.SemaphoreType.DMA,
          pltpu.SemaphoreType.DMA,
      ],
  )


def _tc_body(plo_ref, phi_ref, w_ref, b_ref, o_ref):
  o_ref[...] = (
      jnp.dot(plo_ref[...], w_ref[0:64, :], preferred_element_type=jnp.float32)
      + jnp.dot(phi_ref[...], w_ref[64:128, :], preferred_element_type=jnp.float32)
      + b_ref[...]
  )


def _tc_combine_matmul(plo, phi, weight, bias, n):
  br = 1000
  return pl.pallas_call(
      _tc_body,
      grid=(n // br,),
      in_specs=[
          pl.BlockSpec((br, 64), lambda i: (i, 0)),
          pl.BlockSpec((br, 64), lambda i: (i, 0)),
          pl.BlockSpec((128, 128), lambda i: (0, 0)),
          pl.BlockSpec((1, 128), lambda i: (0, 0)),
      ],
      out_specs=pl.BlockSpec((br, 128), lambda i: (i, 0)),
      out_shape=jax.ShapeDtypeStruct((n, 128), jnp.float32),
  )(plo, phi, weight, bias.reshape(1, 128))


@jax.jit
def kernel(x, edge_index, weight, bias):
  n, d = x.shape
  e = edge_index.shape[1]
  assert d == 128 and weight.shape == (128, 128)

  ch = NBUF * (-(-e // (NS * CK * NBUF)))
  e_pad = NS * ch * CK
  rows_per_sub = 8 * (-(-(n + 1) // (NS * 8)))
  n_pad = rows_per_sub * NS

  src = edge_index[0]
  dst = edge_index[1]
  pad = e_pad - e
  if pad:
    src = jnp.concatenate([src, jnp.zeros((pad,), jnp.int32)])
    dst = jnp.concatenate(
        [dst, n + jnp.arange(pad, dtype=jnp.int32) % (n_pad - n)])
  src_p = src.reshape(NS, ch, CK)
  dst_p = dst.reshape(NS, ch, CK)
  x_lo = x[:, :64]
  x_hi = x[:, 64:]

  plo, phi = _sc_segment_sum(n_pad, rows_per_sub, ch)(x_lo, x_hi, src_p, dst_p)
  return _tc_combine_matmul(plo, phi, weight, bias, n)

# --- scband reference (transcript-rebuilt; emitter-appended) ---
"""Pipeline reference for scband-gcnconv-67688684585403 (READ-ONLY COPY).

The authoritative reference and input builder live on the scoring server;
editing this copy changes nothing except your own understanding.
"""

import jax, jax.numpy as jnp
import numpy as np

N = 10000
E = 320000
D_IN = 128
D_OUT = 128


def setup_inputs(seed: int = 0) -> dict:
    key = jax.random.key(seed)
    k1, k2, k3 = jax.random.split(key, 3)
    x = jax.random.normal(k1, (N, D_IN), dtype=jnp.float32)
    edge_index = jax.random.randint(k2, (2, E), 0, N, dtype=jnp.int32)
    # xavier_uniform init for weight, zeros for bias (matches reset_parameters)
    limit = float(np.sqrt(6.0 / (D_IN + D_OUT)))
    weight = jax.random.uniform(k3, (D_IN, D_OUT), dtype=jnp.float32, minval=-limit, maxval=limit)
    bias = jnp.zeros((D_OUT,), dtype=jnp.float32)
    return {"x": x, "edge_index": edge_index, "weight": weight, "bias": bias}


def reference(x, edge_index, weight, bias):
    # adj is the binary adjacency built from edge_index: adj[dst, src] = 1
    # adj.matmul(y) == segment_sum of y[src] over dst
    src = edge_index[0]
    dst = edge_index[1]
    n = x.shape[0]
    input_dim = x.shape[1]
    output_dim = weight.shape[1]
    if input_dim > output_dim:
        # path A: (A @ (X W))
        xw = x @ weight
        out = jax.ops.segment_sum(jnp.take(xw, src, axis=0), dst, num_segments=n)
    else:
        # path B: ((A @ X) W)
        ax = jax.ops.segment_sum(jnp.take(x, src, axis=0), dst, num_segments=n)
        out = ax @ weight
    out = out + bias
    return out

if __name__ == "__main__":
    import jax
    _d = setup_inputs()
    print(jax.jit(kernel)(*tuple(_d.values())))

</pallas_src>

<mosaic_0001>
#map = affine_map<(d0, d1) -> (0, 0)>
#map1 = affine_map<(d0, d1) -> (0, 0, 0)>
module attributes {stable_mosaic.version = 14 : i64} {
  func.func @body(%arg0: i32, %arg1: i32, %arg2: memref<10000x64xf32, #tpu.memory_space<hbm>>, %arg3: memref<10000x64xf32, #tpu.memory_space<hbm>>, %arg4: memref<16x250x80xi32, #tpu.memory_space<hbm>>, %arg5: memref<16x250x80xi32, #tpu.memory_space<hbm>>, %arg6: memref<10112x64xf32, #tpu.memory_space<hbm>>, %arg7: memref<10112x64xf32, #tpu.memory_space<hbm>>, %arg8: memref<79x64xf32, #tpu.memory_space<vmem>>, %arg9: memref<250x80xi32, #tpu.memory_space<vmem>>, %arg10: memref<250x80xi32, #tpu.memory_space<vmem>>, %arg11: memref<80x64xf32, #tpu.memory_space<vmem>>, %arg12: memref<80x64xf32, #tpu.memory_space<vmem>>, %arg13: memref<10112x64xf32, #tpu.memory_space<vmem_shared>>, %arg14: memref<!tpu.dma_semaphore, #tpu.memory_space<semaphore_mem>>, %arg15: memref<!tpu.dma_semaphore, #tpu.memory_space<semaphore_mem>>) attributes {dimension_semantics = [#tpu.dimension_semantics<core_parallel>, #tpu.dimension_semantics<subcore_parallel>], iteration_bounds = array<i64: 2, 16>, scalar_prefetch = 0 : i64, scratch_operands = 8 : i64, tpu.core_type = #tpu.core_type<sc_vector_subcore>, window_params = [{transform_indices = #map}, {transform_indices = #map}, {transform_indices = #map1}, {transform_indices = #map1}, {transform_indices = #map}, {transform_indices = #map}]} {
    %broadcast_in_dim3A = arith.constant 0.000000e+00 : f32
    %broadcast_in_dim3A_0 = vector.broadcast %broadcast_in_dim3A : f32 to vector<16xf32>
    %dma_start3A = arith.constant 0 : i32
    %dma_start3A_1 = arith.constant 0 : i32
    %dma_start3A_2 = tpu.memref_slice %arg4[%arg1, %dma_start3A, %dma_start3A_1] : memref<16x250x80xi32, #tpu.memory_space<hbm>> -> memref<1x250x80xi32, #tpu.memory_space<hbm>>
    %dma_start3A_3 = tpu.memref_squeeze %dma_start3A_2 : memref<1x250x80xi32, #tpu.memory_space<hbm>> -> memref<250x80xi32, #tpu.memory_space<hbm>>
    %dma_start3A_4 = arith.constant 0 : i32
    %dma_start3A_5 = arith.constant 0 : i32
    %dma_start3A_6 = tpu.memref_slice %arg4[%arg1, %dma_start3A_4, %dma_start3A_5] : memref<16x250x80xi32, #tpu.memory_space<hbm>> -> memref<1x250x80xi32, #tpu.memory_space<hbm>>
    %dma_start3A_7 = tpu.memref_squeeze %dma_start3A_6 : memref<1x250x80xi32, #tpu.memory_space<hbm>> -> memref<250x80xi32, #tpu.memory_space<hbm>>
    tpu.enqueue_dma source(%dma_start3A_7 : memref<250x80xi32, #tpu.memory_space<hbm>>) target(%arg9 : memref<250x80xi32, #tpu.memory_space<vmem>>) target_semaphore(%arg14 : memref<!tpu.dma_semaphore, #tpu.memory_space<semaphore_mem>>)
    %dma_start3A_8 = arith.constant 0 : i32
    %dma_start3A_9 = arith.constant 0 : i32
    %dma_start3A_10 = tpu.memref_slice %arg5[%arg1, %dma_start3A_8, %dma_start3A_9] : memref<16x250x80xi32, #tpu.memory_space<hbm>> -> memref<1x250x80xi32, #tpu.memory_space<hbm>>
    %dma_start3A_11 = tpu.memref_squeeze %dma_start3A_10 : memref<1x250x80xi32, #tpu.memory_space<hbm>> -> memref<250x80xi32, #tpu.memory_space<hbm>>
    %dma_start3A_12 = arith.constant 0 : i32
    %dma_start3A_13 = arith.constant 0 : i32
    %dma_start3A_14 = tpu.memref_slice %arg5[%arg1, %dma_start3A_12, %dma_start3A_13] : memref<16x250x80xi32, #tpu.memory_space<hbm>> -> memref<1x250x80xi32, #tpu.memory_space<hbm>>
    %dma_start3A_15 = tpu.memref_squeeze %dma_start3A_14 : memref<1x250x80xi32, #tpu.memory_space<hbm>> -> memref<250x80xi32, #tpu.memory_space<hbm>>
    tpu.enqueue_dma source(%dma_start3A_15 : memref<250x80xi32, #tpu.memory_space<hbm>>) target(%arg10 : memref<250x80xi32, #tpu.memory_space<vmem>>) target_semaphore(%arg15 : memref<!tpu.dma_semaphore, #tpu.memory_space<semaphore_mem>>)
    %scan3A = arith.constant 0 : i32
    %scan3A_16 = arith.constant 0 : i32
    %scan3A_17 = arith.constant 79 : i32
    %scan3A_18 = arith.addi %scan3A_16, %scan3A_17 : i32
    %scan3A_19 = arith.constant 1 : i32
    %scan3A_20 = scf.for %scan3A_87 = %scan3A_16 to %scan3A_18 step %scan3A_19 iter_args(%scan3A_88 = %scan3A) -> (i32)  : i32 {
      %swap3A = arith.index_cast %scan3A_87 : i32 to index
      %swap3A_89 = arith.constant 0 : index
      %swap3A_90 = tpu.vector_load %arg8[%swap3A, %swap3A_89] {strides = array<i32>} : memref<79x64xf32, #tpu.memory_space<vmem>>, vector<1x16xf32>,
      %swap3A_91 = vector.shape_cast %swap3A_90 : vector<1x16xf32> to vector<16xf32>
      %swap3A_92 = vector.shape_cast %broadcast_in_dim3A_0 : vector<16xf32> to vector<1x16xf32>
      tpu.vector_store %arg8[%swap3A, %swap3A_89], %swap3A_92 {strides = array<i32>} : memref<79x64xf32, #tpu.memory_space<vmem>>, vector<1x16xf32>,
      %swap3A_93 = arith.index_cast %scan3A_87 : i32 to index
      %swap3A_94 = arith.constant 16 : index
      %swap3A_95 = tpu.vector_load %arg8[%swap3A_93, %swap3A_94] {strides = array<i32>} : memref<79x64xf32, #tpu.memory_space<vmem>>, vector<1x16xf32>,
      %swap3A_96 = vector.shape_cast %swap3A_95 : vector<1x16xf32> to vector<16xf32>
      %swap3A_97 = vector.shape_cast %broadcast_in_dim3A_0 : vector<16xf32> to vector<1x16xf32>
      tpu.vector_store %arg8[%swap3A_93, %swap3A_94], %swap3A_97 {strides = array<i32>} : memref<79x64xf32, #tpu.memory_space<vmem>>, vector<1x16xf32>,
      %swap3A_98 = arith.index_cast %scan3A_87 : i32 to index
      %swap3A_99 = arith.constant 32 : index
      %swap3A_100 = tpu.vector_load %arg8[%swap3A_98, %swap3A_99] {strides = array<i32>} : memref<79x64xf32, #tpu.memory_space<vmem>>, vector<1x16xf32>,
      %swap3A_101 = vector.shape_cast %swap3A_100 : vector<1x16xf32> to vector<16xf32>
      %swap3A_102 = vector.shape_cast %broadcast_in_dim3A_0 : vector<16xf32> to vector<1x16xf32>
      tpu.vector_store %arg8[%swap3A_98, %swap3A_99], %swap3A_102 {strides = array<i32>} : memref<79x64xf32, #tpu.memory_space<vmem>>, vector<1x16xf32>,
      %swap3A_103 = arith.index_cast %scan3A_87 : i32 to index
      %swap3A_104 = arith.constant 48 : index
      %swap3A_105 = tpu.vector_load %arg8[%swap3A_103, %swap3A_104] {strides = array<i32>} : memref<79x64xf32, #tpu.memory_space<vmem>>, vector<1x16xf32>,
      %swap3A_106 = vector.shape_cast %swap3A_105 : vector<1x16xf32> to vector<16xf32>
      %swap3A_107 = vector.shape_cast %broadcast_in_dim3A_0 : vector<16xf32> to vector<1x16xf32>
      tpu.vector_store %arg8[%swap3A_103, %swap3A_104], %swap3A_107 {strides = array<i32>} : memref<79x64xf32, #tpu.memory_space<vmem>>, vector<1x16xf32>,
      %scan3A_108 = arith.constant 0 : i32
      scf.yield %scan3A_108 : i32
    }
    %scan3A_21 = arith.constant 79 : i32
    %mul3A = arith.constant 632 : i32
    %mul3A_22 = arith.muli %arg1, %mul3A : i32
    %add3A = arith.constant 0 : i32
    %add3A_23 = arith.addi %mul3A_22, %add3A : i32
    "tpu.region"() ({
      %run_scoped3A = tpu.sem_alloc : memref<!tpu.dma_semaphore, #tpu.memory_space<semaphore_mem>>
      %dma_start3A_87 = arith.constant 0 : i32
      %dma_start3A_88 = tpu.memref_slice %arg13[%add3A_23, %dma_start3A_87] : memref<10112x64xf32, #tpu.memory_space<vmem_shared>> -> memref<79x64xf32, #tpu.memory_space<vmem_shared>>
      %dma_start3A_89 = arith.constant 0 : i32
      %dma_start3A_90 = tpu.memref_slice %arg13[%add3A_23, %dma_start3A_89] : memref<10112x64xf32, #tpu.memory_space<vmem_shared>> -> memref<79x64xf32, #tpu.memory_space<vmem_shared>>
      tpu.enqueue_dma source(%arg8 : memref<79x64xf32, #tpu.memory_space<vmem>>) target(%dma_start3A_90 : memref<79x64xf32, #tpu.memory_space<vmem_shared>>) target_semaphore(%run_scoped3A : memref<!tpu.dma_semaphore, #tpu.memory_space<semaphore_mem>>)
      %dma_wait3A_91 = arith.constant 0 : i32
      %dma_wait3A_92 = tpu.memref_slice %arg13[%add3A_23, %dma_wait3A_91] : memref<10112x64xf32, #tpu.memory_space<vmem_shared>> -> memref<79x64xf32, #tpu.memory_space<vmem_shared>>
      %dma_wait3A_93 = arith.constant 0 : i32
      %dma_wait3A_94 = tpu.memref_slice %arg13[%add3A_23, %dma_wait3A_93] : memref<10112x64xf32, #tpu.memory_space<vmem_shared>> -> memref<79x64xf32, #tpu.memory_space<vmem_shared>>
      tpu.wait_dma2 semaphore(%run_scoped3A : memref<!tpu.dma_semaphore, #tpu.memory_space<semaphore_mem>>) src(%arg8 : memref<79x64xf32, #tpu.memory_space<vmem>>) dst(%dma_wait3A_94 : memref<79x64xf32, #tpu.memory_space<vmem_shared>>)
      tpu.yield
    }) : () -> ()
    %mul3A_24 = arith.constant 632 : i32
    %mul3A_25 = arith.muli %arg1, %mul3A_24 : i32
    %add3A_26 = arith.constant 79 : i32
    %add3A_27 = arith.addi %mul3A_25, %add3A_26 : i32
    "tpu.region"() ({
      %run_scoped3A = tpu.sem_alloc : memref<!tpu.dma_semaphore, #tpu.memory_space<semaphore_mem>>
      %dma_start3A_87 = arith.constant 0 : i32
      %dma_start3A_88 = tpu.memref_slice %arg13[%add3A_27, %dma_start3A_87] : memref<10112x64xf32, #tpu.memory_space<vmem_shared>> -> memref<79x64xf32, #tpu.memory_space<vmem_shared>>
      %dma_start3A_89 = arith.constant 0 : i32
      %dma_start3A_90 = tpu.memref_slice %arg13[%add3A_27, %dma_start3A_89] : memref<10112x64xf32, #tpu.memory_space<vmem_shared>> -> memref<79x64xf32, #tpu.memory_space<vmem_shared>>
      tpu.enqueue_dma source(%arg8 : memref<79x64xf32, #tpu.memory_space<vmem>>) target(%dma_start3A_90 : memref<79x64xf32, #tpu.memory_space<vmem_shared>>) target_semaphore(%run_scoped3A : memref<!tpu.dma_semaphore, #tpu.memory_space<semaphore_mem>>)
      %dma_wait3A_91 = arith.constant 0 : i32
      %dma_wait3A_92 = tpu.memref_slice %arg13[%add3A_27, %dma_wait3A_91] : memref<10112x64xf32, #tpu.memory_space<vmem_shared>> -> memref<79x64xf32, #tpu.memory_space<vmem_shared>>
      %dma_wait3A_93 = arith.constant 0 : i32
      %dma_wait3A_94 = tpu.memref_slice %arg13[%add3A_27, %dma_wait3A_93] : memref<10112x64xf32, #tpu.memory_space<vmem_shared>> -> memref<79x64xf32, #tpu.memory_space<vmem_shared>>
      tpu.wait_dma2 semaphore(%run_scoped3A : memref<!tpu.dma_semaphore, #tpu.memory_space<semaphore_mem>>) src(%arg8 : memref<79x64xf32, #tpu.memory_space<vmem>>) dst(%dma_wait3A_94 : memref<79x64xf32, #tpu.memory_space<vmem_shared>>)
      tpu.yield
    }) : () -> ()
    %mul3A_28 = arith.constant 632 : i32
    %mul3A_29 = arith.muli %arg1, %mul3A_28 : i32
    %add3A_30 = arith.constant 158 : i32
    %add3A_31 = arith.addi %mul3A_29, %add3A_30 : i32
    "tpu.region"() ({
      %run_scoped3A = tpu.sem_alloc : memref<!tpu.dma_semaphore, #tpu.memory_space<semaphore_mem>>
      %dma_start3A_87 = arith.constant 0 : i32
      %dma_start3A_88 = tpu.memref_slice %arg13[%add3A_31, %dma_start3A_87] : memref<10112x64xf32, #tpu.memory_space<vmem_shared>> -> memref<79x64xf32, #tpu.memory_space<vmem_shared>>
      %dma_start3A_89 = arith.constant 0 : i32
      %dma_start3A_90 = tpu.memref_slice %arg13[%add3A_31, %dma_start3A_89] : memref<10112x64xf32, #tpu.memory_space<vmem_shared>> -> memref<79x64xf32, #tpu.memory_space<vmem_shared>>
      tpu.enqueue_dma source(%arg8 : memref<79x64xf32, #tpu.memory_space<vmem>>) target(%dma_start3A_90 : memref<79x64xf32, #tpu.memory_space<vmem_shared>>) target_semaphore(%run_scoped3A : memref<!tpu.dma_semaphore, #tpu.memory_space<semaphore_mem>>)
      %dma_wait3A_91 = arith.constant 0 : i32
      %dma_wait3A_92 = tpu.memref_slice %arg13[%add3A_31, %dma_wait3A_91] : memref<10112x64xf32, #tpu.memory_space<vmem_shared>> -> memref<79x64xf32, #tpu.memory_space<vmem_shared>>
      %dma_wait3A_93 = arith.constant 0 : i32
      %dma_wait3A_94 = tpu.memref_slice %arg13[%add3A_31, %dma_wait3A_93] : memref<10112x64xf32, #tpu.memory_space<vmem_shared>> -> memref<79x64xf32, #tpu.memory_space<vmem_shared>>
      tpu.wait_dma2 semaphore(%run_scoped3A : memref<!tpu.dma_semaphore, #tpu.memory_space<semaphore_mem>>) src(%arg8 : memref<79x64xf32, #tpu.memory_space<vmem>>) dst(%dma_wait3A_94 : memref<79x64xf32, #tpu.memory_space<vmem_shared>>)
      tpu.yield
    }) : () -> ()
    %mul3A_32 = arith.constant 632 : i32
    %mul3A_33 = arith.muli %arg1, %mul3A_32 : i32
    %add3A_34 = arith.constant 237 : i32
    %add3A_35 = arith.addi %mul3A_33, %add3A_34 : i32
    "tpu.region"() ({
      %run_scoped3A = tpu.sem_alloc : memref<!tpu.dma_semaphore, #tpu.memory_space<semaphore_mem>>
      %dma_start3A_87 = arith.constant 0 : i32
      %dma_start3A_88 = tpu.memref_slice %arg13[%add3A_35, %dma_start3A_87] : memref<10112x64xf32, #tpu.memory_space<vmem_shared>> -> memref<79x64xf32, #tpu.memory_space<vmem_shared>>
      %dma_start3A_89 = arith.constant 0 : i32
      %dma_start3A_90 = tpu.memref_slice %arg13[%add3A_35, %dma_start3A_89] : memref<10112x64xf32, #tpu.memory_space<vmem_shared>> -> memref<79x64xf32, #tpu.memory_space<vmem_shared>>
      tpu.enqueue_dma source(%arg8 : memref<79x64xf32, #tpu.memory_space<vmem>>) target(%dma_start3A_90 : memref<79x64xf32, #tpu.memory_space<vmem_shared>>) target_semaphore(%run_scoped3A : memref<!tpu.dma_semaphore, #tpu.memory_space<semaphore_mem>>)
      %dma_wait3A_91 = arith.constant 0 : i32
      %dma_wait3A_92 = tpu.memref_slice %arg13[%add3A_35, %dma_wait3A_91] : memref<10112x64xf32, #tpu.memory_space<vmem_shared>> -> memref<79x64xf32, #tpu.memory_space<vmem_shared>>
      %dma_wait3A_93 = arith.constant 0 : i32
      %dma_wait3A_94 = tpu.memref_slice %arg13[%add3A_35, %dma_wait3A_93] : memref<10112x64xf32, #tpu.memory_space<vmem_shared>> -> memref<79x64xf32, #tpu.memory_space<vmem_shared>>
      tpu.wait_dma2 semaphore(%run_scoped3A : memref<!tpu.dma_semaphore, #tpu.memory_space<semaphore_mem>>) src(%arg8 : memref<79x64xf32, #tpu.memory_space<vmem>>) dst(%dma_wait3A_94 : memref<79x64xf32, #tpu.memory_space<vmem_shared>>)
      tpu.yield
    }) : () -> ()
    %mul3A_36 = arith.constant 632 : i32
    %mul3A_37 = arith.muli %arg1, %mul3A_36 : i32
    %add3A_38 = arith.constant 316 : i32
    %add3A_39 = arith.addi %mul3A_37, %add3A_38 : i32
    "tpu.region"() ({
      %run_scoped3A = tpu.sem_alloc : memref<!tpu.dma_semaphore, #tpu.memory_space<semaphore_mem>>
      %dma_start3A_87 = arith.constant 0 : i32
      %dma_start3A_88 = tpu.memref_slice %arg13[%add3A_39, %dma_start3A_87] : memref<10112x64xf32, #tpu.memory_space<vmem_shared>> -> memref<79x64xf32, #tpu.memory_space<vmem_shared>>
      %dma_start3A_89 = arith.constant 0 : i32
      %dma_start3A_90 = tpu.memref_slice %arg13[%add3A_39, %dma_start3A_89] : memref<10112x64xf32, #tpu.memory_space<vmem_shared>> -> memref<79x64xf32, #tpu.memory_space<vmem_shared>>
      tpu.enqueue_dma source(%arg8 : memref<79x64xf32, #tpu.memory_space<vmem>>) target(%dma_start3A_90 : memref<79x64xf32, #tpu.memory_space<vmem_shared>>) target_semaphore(%run_scoped3A : memref<!tpu.dma_semaphore, #tpu.memory_space<semaphore_mem>>)
      %dma_wait3A_91 = arith.constant 0 : i32
      %dma_wait3A_92 = tpu.memref_slice %arg13[%add3A_39, %dma_wait3A_91] : memref<10112x64xf32, #tpu.memory_space<vmem_shared>> -> memref<79x64xf32, #tpu.memory_space<vmem_shared>>
      %dma_wait3A_93 = arith.constant 0 : i32
      %dma_wait3A_94 = tpu.memref_slice %arg13[%add3A_39, %dma_wait3A_93] : memref<10112x64xf32, #tpu.memory_space<vmem_shared>> -> memref<79x64xf32, #tpu.memory_space<vmem_shared>>
      tpu.wait_dma2 semaphore(%run_scoped3A : memref<!tpu.dma_semaphore, #tpu.memory_space<semaphore_mem>>) src(%arg8 : memref<79x64xf32, #tpu.memory_space<vmem>>) dst(%dma_wait3A_94 : memref<79x64xf32, #tpu.memory_space<vmem_shared>>)
      tpu.yield
    }) : () -> ()
    %mul3A_40 = arith.constant 632 : i32
    %mul3A_41 = arith.muli %arg1, %mul3A_40 : i32
    %add3A_42 = arith.constant 395 : i32
    %add3A_43 = arith.addi %mul3A_41, %add3A_42 : i32
    "tpu.region"() ({
      %run_scoped3A = tpu.sem_alloc : memref<!tpu.dma_semaphore, #tpu.memory_space<semaphore_mem>>
      %dma_start3A_87 = arith.constant 0 : i32
      %dma_start3A_88 = tpu.memref_slice %arg13[%add3A_43, %dma_start3A_87] : memref<10112x64xf32, #tpu.memory_space<vmem_shared>> -> memref<79x64xf32, #tpu.memory_space<vmem_shared>>
      %dma_start3A_89 = arith.constant 0 : i32
      %dma_start3A_90 = tpu.memref_slice %arg13[%add3A_43, %dma_start3A_89] : memref<10112x64xf32, #tpu.memory_space<vmem_shared>> -> memref<79x64xf32, #tpu.memory_space<vmem_shared>>
      tpu.enqueue_dma source(%arg8 : memref<79x64xf32, #tpu.memory_space<vmem>>) target(%dma_start3A_90 : memref<79x64xf32, #tpu.memory_space<vmem_shared>>) target_semaphore(%run_scoped3A : memref<!tpu.dma_semaphore, #tpu.memory_space<semaphore_mem>>)
      %dma_wait3A_91 = arith.constant 0 : i32
      %dma_wait3A_92 = tpu.memref_slice %arg13[%add3A_43, %dma_wait3A_91] : memref<10112x64xf32, #tpu.memory_space<vmem_shared>> -> memref<79x64xf32, #tpu.memory_space<vmem_shared>>
      %dma_wait3A_93 = arith.constant 0 : i32
      %dma_wait3A_94 = tpu.memref_slice %arg13[%add3A_43, %dma_wait3A_93] : memref<10112x64xf32, #tpu.memory_space<vmem_shared>> -> memref<79x64xf32, #tpu.memory_space<vmem_shared>>
      tpu.wait_dma2 semaphore(%run_scoped3A : memref<!tpu.dma_semaphore, #tpu.memory_space<semaphore_mem>>) src(%arg8 : memref<79x64xf32, #tpu.memory_space<vmem>>) dst(%dma_wait3A_94 : memref<79x64xf32, #tpu.memory_space<vmem_shared>>)
      tpu.yield
    }) : () -> ()
    %mul3A_44 = arith.constant 632 : i32
    %mul3A_45 = arith.muli %arg1, %mul3A_44 : i32
    %add3A_46 = arith.constant 474 : i32
    %add3A_47 = arith.addi %mul3A_45, %add3A_46 : i32
    "tpu.region"() ({
      %run_scoped3A = tpu.sem_alloc : memref<!tpu.dma_semaphore, #tpu.memory_space<semaphore_mem>>
      %dma_start3A_87 = arith.constant 0 : i32
      %dma_start3A_88 = tpu.memref_slice %arg13[%add3A_47, %dma_start3A_87] : memref<10112x64xf32, #tpu.memory_space<vmem_shared>> -> memref<79x64xf32, #tpu.memory_space<vmem_shared>>
      %dma_start3A_89 = arith.constant 0 : i32
      %dma_start3A_90 = tpu.memref_slice %arg13[%add3A_47, %dma_start3A_89] : memref<10112x64xf32, #tpu.memory_space<vmem_shared>> -> memref<79x64xf32, #tpu.memory_space<vmem_shared>>
      tpu.enqueue_dma source(%arg8 : memref<79x64xf32, #tpu.memory_space<vmem>>) target(%dma_start3A_90 : memref<79x64xf32, #tpu.memory_space<vmem_shared>>) target_semaphore(%run_scoped3A : memref<!tpu.dma_semaphore, #tpu.memory_space<semaphore_mem>>)
      %dma_wait3A_91 = arith.constant 0 : i32
      %dma_wait3A_92 = tpu.memref_slice %arg13[%add3A_47, %dma_wait3A_91] : memref<10112x64xf32, #tpu.memory_space<vmem_shared>> -> memref<79x64xf32, #tpu.memory_space<vmem_shared>>
      %dma_wait3A_93 = arith.constant 0 : i32
      %dma_wait3A_94 = tpu.memref_slice %arg13[%add3A_47, %dma_wait3A_93] : memref<10112x64xf32, #tpu.memory_space<vmem_shared>> -> memref<79x64xf32, #tpu.memory_space<vmem_shared>>
      tpu.wait_dma2 semaphore(%run_scoped3A : memref<!tpu.dma_semaphore, #tpu.memory_space<semaphore_mem>>) src(%arg8 : memref<79x64xf32, #tpu.memory_space<vmem>>) dst(%dma_wait3A_94 : memref<79x64xf32, #tpu.memory_space<vmem_shared>>)
      tpu.yield
    }) : () -> ()
    %mul3A_48 = arith.constant 632 : i32
    %mul3A_49 = arith.muli %arg1, %mul3A_48 : i32
    %add3A_50 = arith.constant 553 : i32
    %add3A_51 = arith.addi %mul3A_49, %add3A_50 : i32
    "tpu.region"() ({
      %run_scoped3A = tpu.sem_alloc : memref<!tpu.dma_semaphore, #tpu.memory_space<semaphore_mem>>
      %dma_start3A_87 = arith.constant 0 : i32
      %dma_start3A_88 = tpu.memref_slice %arg13[%add3A_51, %dma_start3A_87] : memref<10112x64xf32, #tpu.memory_space<vmem_shared>> -> memref<79x64xf32, #tpu.memory_space<vmem_shared>>
      %dma_start3A_89 = arith.constant 0 : i32
      %dma_start3A_90 = tpu.memref_slice %arg13[%add3A_51, %dma_start3A_89] : memref<10112x64xf32, #tpu.memory_space<vmem_shared>> -> memref<79x64xf32, #tpu.memory_space<vmem_shared>>
      tpu.enqueue_dma source(%arg8 : memref<79x64xf32, #tpu.memory_space<vmem>>) target(%dma_start3A_90 : memref<79x64xf32, #tpu.memory_space<vmem_shared>>) target_semaphore(%run_scoped3A : memref<!tpu.dma_semaphore, #tpu.memory_space<semaphore_mem>>)
      %dma_wait3A_91 = arith.constant 0 : i32
      %dma_wait3A_92 = tpu.memref_slice %arg13[%add3A_51, %dma_wait3A_91] : memref<10112x64xf32, #tpu.memory_space<vmem_shared>> -> memref<79x64xf32, #tpu.memory_space<vmem_shared>>
      %dma_wait3A_93 = arith.constant 0 : i32
      %dma_wait3A_94 = tpu.memref_slice %arg13[%add3A_51, %dma_wait3A_93] : memref<10112x64xf32, #tpu.memory_space<vmem_shared>> -> memref<79x64xf32, #tpu.memory_space<vmem_shared>>
      tpu.wait_dma2 semaphore(%run_scoped3A : memref<!tpu.dma_semaphore, #tpu.memory_space<semaphore_mem>>) src(%arg8 : memref<79x64xf32, #tpu.memory_space<vmem>>) dst(%dma_wait3A_94 : memref<79x64xf32, #tpu.memory_space<vmem_shared>>)
      tpu.yield
    }) : () -> ()
    %dma_wait3A = arith.constant 0 : i32
    %dma_wait3A_52 = arith.constant 0 : i32
    %dma_wait3A_53 = tpu.memref_slice %arg4[%arg1, %dma_wait3A, %dma_wait3A_52] : memref<16x250x80xi32, #tpu.memory_space<hbm>> -> memref<1x250x80xi32, #tpu.memory_space<hbm>>
    %dma_wait3A_54 = tpu.memref_squeeze %dma_wait3A_53 : memref<1x250x80xi32, #tpu.memory_space<hbm>> -> memref<250x80xi32, #tpu.memory_space<hbm>>
    %dma_wait3A_55 = arith.constant 0 : i32
    %dma_wait3A_56 = arith.constant 0 : i32
    %dma_wait3A_57 = tpu.memref_slice %arg4[%arg1, %dma_wait3A_55, %dma_wait3A_56] : memref<16x250x80xi32, #tpu.memory_space<hbm>> -> memref<1x250x80xi32, #tpu.memory_space<hbm>>
    %dma_wait3A_58 = tpu.memref_squeeze %dma_wait3A_57 : memref<1x250x80xi32, #tpu.memory_space<hbm>> -> memref<250x80xi32, #tpu.memory_space<hbm>>
    tpu.wait_dma2 semaphore(%arg14 : memref<!tpu.dma_semaphore, #tpu.memory_space<semaphore_mem>>) src(%dma_wait3A_58 : memref<250x80xi32, #tpu.memory_space<hbm>>) dst(%arg9 : memref<250x80xi32, #tpu.memory_space<vmem>>)
    %dma_wait3A_59 = arith.constant 0 : i32
    %dma_wait3A_60 = arith.constant 0 : i32
    %dma_wait3A_61 = tpu.memref_slice %arg5[%arg1, %dma_wait3A_59, %dma_wait3A_60] : memref<16x250x80xi32, #tpu.memory_space<hbm>> -> memref<1x250x80xi32, #tpu.memory_space<hbm>>
    %dma_wait3A_62 = tpu.memref_squeeze %dma_wait3A_61 : memref<1x250x80xi32, #tpu.memory_space<hbm>> -> memref<250x80xi32, #tpu.memory_space<hbm>>
    %dma_wait3A_63 = arith.constant 0 : i32
    %dma_wait3A_64 = arith.constant 0 : i32
    %dma_wait3A_65 = tpu.memref_slice %arg5[%arg1, %dma_wait3A_63, %dma_wait3A_64] : memref<16x250x80xi32, #tpu.memory_space<hbm>> -> memref<1x250x80xi32, #tpu.memory_space<hbm>>
    %dma_wait3A_66 = tpu.memref_squeeze %dma_wait3A_65 : memref<1x250x80xi32, #tpu.memory_space<hbm>> -> memref<250x80xi32, #tpu.memory_space<hbm>>
    tpu.wait_dma2 semaphore(%arg15 : memref<!tpu.dma_semaphore, #tpu.memory_space<semaphore_mem>>) src(%dma_wait3A_66 : memref<250x80xi32, #tpu.memory_space<hbm>>) dst(%arg10 : memref<250x80xi32, #tpu.memory_space<vmem>>)
    %barrier3A = arith.constant 0 : index
    tpu.barrier barrier_id(%barrier3A)
    %eq3A = arith.constant 0 : i32
    %eq3A_67 = arith.cmpi eq, %arg0, %eq3A : i32
    %convert_element_type3A = arith.extui %eq3A_67 : i1 to i32
    %cond3A = arith.constant 0 : i32
    %cond3A_68 = arith.cmpi ne, %convert_element_type3A, %cond3A : i32
    scf.if %cond3A_68 {
      %dma_start3A_87 = arith.constant 0 : i32
      %dma_start3A_88 = arith.constant 0 : i32
      %dma_start3A_89 = tpu.memref_slice %arg9[%dma_start3A_87, %dma_start3A_88] : memref<250x80xi32, #tpu.memory_space<vmem>> -> memref<1x80xi32, #tpu.memory_space<vmem>>
      %dma_start3A_90 = tpu.memref_squeeze %dma_start3A_89 : memref<1x80xi32, #tpu.memory_space<vmem>> -> memref<80xi32, #tpu.memory_space<vmem>>
      %dma_start3A_91 = arith.constant 0 : i32
      %dma_start3A_92 = arith.constant 0 : i32
      %dma_start3A_93 = tpu.memref_slice %arg2[%dma_start3A_91, %dma_start3A_92] : memref<10000x64xf32, #tpu.memory_space<hbm>> -> memref<10000x64xf32, #tpu.memory_space<hbm>>
      tpu.enqueue_indirect_dma source(%dma_start3A_93 : memref<10000x64xf32, #tpu.memory_space<hbm>>) target(%arg11 : memref<80x64xf32, #tpu.memory_space<vmem>>) offsets(%dma_start3A_90 : memref<80xi32, #tpu.memory_space<vmem>>) semaphore(%arg14 : memref<!tpu.dma_semaphore, #tpu.memory_space<semaphore_mem>>)
      %dma_start3A_94 = arith.constant 1 : i32
      %dma_start3A_95 = arith.constant 0 : i32
      %dma_start3A_96 = tpu.memref_slice %arg9[%dma_start3A_94, %dma_start3A_95] : memref<250x80xi32, #tpu.memory_space<vmem>> -> memref<1x80xi32, #tpu.memory_space<vmem>>
      %dma_start3A_97 = tpu.memref_squeeze %dma_start3A_96 : memref<1x80xi32, #tpu.memory_space<vmem>> -> memref<80xi32, #tpu.memory_space<vmem>>
      %dma_start3A_98 = arith.constant 0 : i32
      %dma_start3A_99 = arith.constant 0 : i32
      %dma_start3A_100 = tpu.memref_slice %arg2[%dma_start3A_98, %dma_start3A_99] : memref<10000x64xf32, #tpu.memory_space<hbm>> -> memref<10000x64xf32, #tpu.memory_space<hbm>>
      tpu.enqueue_indirect_dma source(%dma_start3A_100 : memref<10000x64xf32, #tpu.memory_space<hbm>>) target(%arg12 : memref<80x64xf32, #tpu.memory_space<vmem>>) offsets(%dma_start3A_97 : memref<80xi32, #tpu.memory_space<vmem>>) semaphore(%arg15 : memref<!tpu.dma_semaphore, #tpu.memory_space<semaphore_mem>>)
      %scan3A_101 = arith.constant 0 : i32
      %scan3A_102 = arith.constant 0 : i32
      %scan3A_103 = arith.constant 124 : i32
      %scan3A_104 = arith.addi %scan3A_102, %scan3A_103 : i32
      %scan3A_105 = arith.constant 1 : i32
      %scan3A_106 = scf.for %scan3A_123 = %scan3A_102 to %scan3A_104 step %scan3A_105 iter_args(%scan3A_124 = %scan3A_101) -> (i32)  : i32 {
        %mul3A_125 = arith.constant 2 : i32
        %mul3A_126 = arith.muli %scan3A_123, %mul3A_125 : i32
        %add3A_127 = arith.constant 0 : i32
        %add3A_128 = arith.addi %mul3A_126, %add3A_127 : i32
        %dma_wait3A_129 = arith.constant 0 : i32
        %dma_wait3A_130 = tpu.memref_slice %arg9[%add3A_128, %dma_wait3A_129] : memref<250x80xi32, #tpu.memory_space<vmem>> -> memref<1x80xi32, #tpu.memory_space<vmem>>
        %dma_wait3A_131 = tpu.memref_squeeze %dma_wait3A_130 : memref<1x80xi32, #tpu.memory_space<vmem>> -> memref<80xi32, #tpu.memory_space<vmem>>
        %dma_wait3A_132 = arith.constant 0 : i32
        %dma_wait3A_133 = arith.constant 0 : i32
        %dma_wait3A_134 = tpu.memref_slice %arg2[%dma_wait3A_132, %dma_wait3A_133] : memref<10000x64xf32, #tpu.memory_space<hbm>> -> memref<10000x64xf32, #tpu.memory_space<hbm>>
        tpu.wait_indirect_dma semaphore(%arg14 : memref<!tpu.dma_semaphore, #tpu.memory_space<semaphore_mem>>) src(%dma_wait3A_134 : memref<10000x64xf32, #tpu.memory_space<hbm>>) dst(%arg11 : memref<80x64xf32, #tpu.memory_space<vmem>>)
        "tpu.region"() ({
          %run_scoped3A_160 = tpu.sem_alloc : memref<!tpu.dma_semaphore, #tpu.memory_space<semaphore_mem>>
          %dma_start3A_161 = arith.constant 0 : i32
          %dma_start3A_162 = tpu.memref_slice %arg10[%add3A_128, %dma_start3A_161] : memref<250x80xi32, #tpu.memory_space<vmem>> -> memref<1x80xi32, #tpu.memory_space<vmem>>
          %dma_start3A_163 = tpu.memref_squeeze %dma_start3A_162 : memref<1x80xi32, #tpu.memory_space<vmem>> -> memref<80xi32, #tpu.memory_space<vmem>>
          %dma_start3A_164 = arith.constant 0 : i32
          %dma_start3A_165 = arith.constant 0 : i32
          %dma_start3A_166 = tpu.memref_slice %arg13[%dma_start3A_164, %dma_start3A_165] : memref<10112x64xf32, #tpu.memory_space<vmem_shared>> -> memref<10112x64xf32, #tpu.memory_space<vmem_shared>>
          tpu.enqueue_indirect_dma source(%arg11 : memref<80x64xf32, #tpu.memory_space<vmem>>) target(%dma_start3A_166 : memref<10112x64xf32, #tpu.memory_space<vmem_shared>>) offsets(%dma_start3A_163 : memref<80xi32, #tpu.memory_space<vmem>>) semaphore(%run_scoped3A_160 : memref<!tpu.dma_semaphore, #tpu.memory_space<semaphore_mem>>) {add = true}
          %dma_wait3A_167 = arith.constant 0 : i32
          %dma_wait3A_168 = tpu.memref_slice %arg10[%add3A_128, %dma_wait3A_167] : memref<250x80xi32, #tpu.memory_space<vmem>> -> memref<1x80xi32, #tpu.memory_space<vmem>>
          %dma_wait3A_169 = tpu.memref_squeeze %dma_wait3A_168 : memref<1x80xi32, #tpu.memory_space<vmem>> -> memref<80xi32, #tpu.memory_space<vmem>>
          %dma_wait3A_170 = arith.constant 0 : i32
          %dma_wait3A_171 = arith.constant 0 : i32
          %dma_wait3A_172 = tpu.memref_slice %arg13[%dma_wait3A_170, %dma_wait3A_171] : memref<10112x64xf32, #tpu.memory_space<vmem_shared>> -> memref<10112x64xf32, #tpu.memory_space<vmem_shared>>
          tpu.wait_indirect_dma semaphore(%run_scoped3A_160 : memref<!tpu.dma_semaphore, #tpu.memory_space<semaphore_mem>>) src(%arg11 : memref<80x64xf32, #tpu.memory_space<vmem>>) dst(%dma_wait3A_172 : memref<10112x64xf32, #tpu.memory_space<vmem_shared>>)
          tpu.yield
        }) : () -> ()
        %add3A_135 = arith.constant 2 : i32
        %add3A_136 = arith.addi %add3A_128, %add3A_135 : i32
        %dma_start3A_137 = arith.constant 0 : i32
        %dma_start3A_138 = tpu.memref_slice %arg9[%add3A_136, %dma_start3A_137] : memref<250x80xi32, #tpu.memory_space<vmem>> -> memref<1x80xi32, #tpu.memory_space<vmem>>
        %dma_start3A_139 = tpu.memref_squeeze %dma_start3A_138 : memref<1x80xi32, #tpu.memory_space<vmem>> -> memref<80xi32, #tpu.memory_space<vmem>>
        %dma_start3A_140 = arith.constant 0 : i32
        %dma_start3A_141 = arith.constant 0 : i32
        %dma_start3A_142 = tpu.memref_slice %arg2[%dma_start3A_140, %dma_start3A_141] : memref<10000x64xf32, #tpu.memory_space<hbm>> -> memref<10000x64xf32, #tpu.memory_space<hbm>>
        tpu.enqueue_indirect_dma source(%dma_start3A_142 : memref<10000x64xf32, #tpu.memory_space<hbm>>) target(%arg11 : memref<80x64xf32, #tpu.memory_space<vmem>>) offsets(%dma_start3A_139 : memref<80xi32, #tpu.memory_space<vmem>>) semaphore(%arg14 : memref<!tpu.dma_semaphore, #tpu.memory_space<semaphore_mem>>)
        %add3A_143 = arith.constant 1 : i32
        %add3A_144 = arith.addi %mul3A_126, %add3A_143 : i32
        %dma_wait3A_145 = arith.constant 0 : i32
        %dma_wait3A_146 = tpu.memref_slice %arg9[%add3A_144, %dma_wait3A_145] : memref<250x80xi32, #tpu.memory_space<vmem>> -> memref<1x80xi32, #tpu.memory_space<vmem>>
        %dma_wait3A_147 = tpu.memref_squeeze %dma_wait3A_146 : memref<1x80xi32, #tpu.memory_space<vmem>> -> memref<80xi32, #tpu.memory_space<vmem>>
        %dma_wait3A_148 = arith.constant 0 : i32
        %dma_wait3A_149 = arith.constant 0 : i32
        %dma_wait3A_150 = tpu.memref_slice %arg2[%dma_wait3A_148, %dma_wait3A_149] : memref<10000x64xf32, #tpu.memory_space<hbm>> -> memref<10000x64xf32, #tpu.memory_space<hbm>>
        tpu.wait_indirect_dma semaphore(%arg15 : memref<!tpu.dma_semaphore, #tpu.memory_space<semaphore_mem>>) src(%dma_wait3A_150 : memref<10000x64xf32, #tpu.memory_space<hbm>>) dst(%arg12 : memref<80x64xf32, #tpu.memory_space<vmem>>)
        "tpu.region"() ({
          %run_scoped3A_160 = tpu.sem_alloc : memref<!tpu.dma_semaphore, #tpu.memory_space<semaphore_mem>>
          %dma_start3A_161 = arith.constant 0 : i32
          %dma_start3A_162 = tpu.memref_slice %arg10[%add3A_144, %dma_start3A_161] : memref<250x80xi32, #tpu.memory_space<vmem>> -> memref<1x80xi32, #tpu.memory_space<vmem>>
          %dma_start3A_163 = tpu.memref_squeeze %dma_start3A_162 : memref<1x80xi32, #tpu.memory_space<vmem>> -> memref<80xi32, #tpu.memory_space<vmem>>
          %dma_start3A_164 = arith.constant 0 : i32
          %dma_start3A_165 = arith.constant 0 : i32
          %dma_start3A_166 = tpu.memref_slice %arg13[%dma_start3A_164, %dma_start3A_165] : memref<10112x64xf32, #tpu.memory_space<vmem_shared>> -> memref<10112x64xf32, #tpu.memory_space<vmem_shared>>
          tpu.enqueue_indirect_dma source(%arg12 : memref<80x64xf32, #tpu.memory_space<vmem>>) target(%dma_start3A_166 : memref<10112x64xf32, #tpu.memory_space<vmem_shared>>) offsets(%dma_start3A_163 : memref<80xi32, #tpu.memory_space<vmem>>) semaphore(%run_scoped3A_160 : memref<!tpu.dma_semaphore, #tpu.memory_space<semaphore_mem>>) {add = true}
          %dma_wait3A_167 = arith.constant 0 : i32
          %dma_wait3A_168 = tpu.memref_slice %arg10[%add3A_144, %dma_wait3A_167] : memref<250x80xi32, #tpu.memory_space<vmem>> -> memref<1x80xi32, #tpu.memory_space<vmem>>
          %dma_wait3A_169 = tpu.memref_squeeze %dma_wait3A_168 : memref<1x80xi32, #tpu.memory_space<vmem>> -> memref<80xi32, #tpu.memory_space<vmem>>
          %dma_wait3A_170 = arith.constant 0 : i32
          %dma_wait3A_171 = arith.constant 0 : i32
          %dma_wait3A_172 = tpu.memref_slice %arg13[%dma_wait3A_170, %dma_wait3A_171] : memref<10112x64xf32, #tpu.memory_space<vmem_shared>> -> memref<10112x64xf32, #tpu.memory_space<vmem_shared>>
          tpu.wait_indirect_dma semaphore(%run_scoped3A_160 : memref<!tpu.dma_semaphore, #tpu.memory_space<semaphore_mem>>) src(%arg12 : memref<80x64xf32, #tpu.memory_space<vmem>>) dst(%dma_wait3A_172 : memref<10112x64xf32, #tpu.memory_space<vmem_shared>>)
          tpu.yield
        }) : () -> ()
        %add3A_151 = arith.constant 2 : i32
        %add3A_152 = arith.addi %add3A_144, %add3A_151 : i32
        %dma_start3A_153 = arith.constant 0 : i32
        %dma_start3A_154 = tpu.memref_slice %arg9[%add3A_152, %dma_start3A_153] : memref<250x80xi32, #tpu.memory_space<vmem>> -> memref<1x80xi32, #tpu.memory_space<vmem>>
        %dma_start3A_155 = tpu.memref_squeeze %dma_start3A_154 : memref<1x80xi32, #tpu.memory_space<vmem>> -> memref<80xi32, #tpu.memory_space<vmem>>
        %dma_start3A_156 = arith.constant 0 : i32
        %dma_start3A_157 = arith.constant 0 : i32
        %dma_start3A_158 = tpu.memref_slice %arg2[%dma_start3A_156, %dma_start3A_157] : memref<10000x64xf32, #tpu.memory_space<hbm>> -> memref<10000x64xf32, #tpu.memory_space<hbm>>
        tpu.enqueue_indirect_dma source(%dma_start3A_158 : memref<10000x64xf32, #tpu.memory_space<hbm>>) target(%arg12 : memref<80x64xf32, #tpu.memory_space<vmem>>) offsets(%dma_start3A_155 : memref<80xi32, #tpu.memory_space<vmem>>) semaphore(%arg15 : memref<!tpu.dma_semaphore, #tpu.memory_space<semaphore_mem>>)
        %scan3A_159 = arith.constant 0 : i32
        scf.yield %scan3A_159 : i32
      }
      %scan3A_107 = arith.constant 124 : i32
      %dma_wait3A_108 = arith.constant 248 : i32
      %dma_wait3A_109 = arith.constant 0 : i32
      %dma_wait3A_110 = tpu.memref_slice %arg9[%dma_wait3A_108, %dma_wait3A_109] : memref<250x80xi32, #tpu.memory_space<vmem>> -> memref<1x80xi32, #tpu.memory_space<vmem>>
      %dma_wait3A_111 = tpu.memref_squeeze %dma_wait3A_110 : memref<1x80xi32, #tpu.memory_space<vmem>> -> memref<80xi32, #tpu.memory_space<vmem>>
      %dma_wait3A_112 = arith.constant 0 : i32
      %dma_wait3A_113 = arith.constant 0 : i32
      %dma_wait3A_114 = tpu.memref_slice %arg2[%dma_wait3A_112, %dma_wait3A_113] : memref<10000x64xf32, #tpu.memory_space<hbm>> -> memref<10000x64xf32, #tpu.memory_space<hbm>>
      tpu.wait_indirect_dma semaphore(%arg14 : memref<!tpu.dma_semaphore, #tpu.memory_space<semaphore_mem>>) src(%dma_wait3A_114 : memref<10000x64xf32, #tpu.memory_space<hbm>>) dst(%arg11 : memref<80x64xf32, #tpu.memory_space<vmem>>)
      %run_scoped3A = arith.constant 248 : i32
      "tpu.region"() ({
        %run_scoped3A_123 = tpu.sem_alloc : memref<!tpu.dma_semaphore, #tpu.memory_space<semaphore_mem>>
        %dma_start3A_124 = arith.constant 0 : i32
        %dma_start3A_125 = tpu.memref_slice %arg10[%run_scoped3A, %dma_start3A_124] : memref<250x80xi32, #tpu.memory_space<vmem>> -> memref<1x80xi32, #tpu.memory_space<vmem>>
        %dma_start3A_126 = tpu.memref_squeeze %dma_start3A_125 : memref<1x80xi32, #tpu.memory_space<vmem>> -> memref<80xi32, #tpu.memory_space<vmem>>
        %dma_start3A_127 = arith.constant 0 : i32
        %dma_start3A_128 = arith.constant 0 : i32
        %dma_start3A_129 = tpu.memref_slice %arg13[%dma_start3A_127, %dma_start3A_128] : memref<10112x64xf32, #tpu.memory_space<vmem_shared>> -> memref<10112x64xf32, #tpu.memory_space<vmem_shared>>
        tpu.enqueue_indirect_dma source(%arg11 : memref<80x64xf32, #tpu.memory_space<vmem>>) target(%dma_start3A_129 : memref<10112x64xf32, #tpu.memory_space<vmem_shared>>) offsets(%dma_start3A_126 : memref<80xi32, #tpu.memory_space<vmem>>) semaphore(%run_scoped3A_123 : memref<!tpu.dma_semaphore, #tpu.memory_space<semaphore_mem>>) {add = true}
        %dma_wait3A_130 = arith.constant 0 : i32
        %dma_wait3A_131 = tpu.memref_slice %arg10[%run_scoped3A, %dma_wait3A_130] : memref<250x80xi32, #tpu.memory_space<vmem>> -> memref<1x80xi32, #tpu.memory_space<vmem>>
        %dma_wait3A_132 = tpu.memref_squeeze %dma_wait3A_131 : memref<1x80xi32, #tpu.memory_space<vmem>> -> memref<80xi32, #tpu.memory_space<vmem>>
        %dma_wait3A_133 = arith.constant 0 : i32
        %dma_wait3A_134 = arith.constant 0 : i32
        %dma_wait3A_135 = tpu.memref_slice %arg13[%dma_wait3A_133, %dma_wait3A_134] : memref<10112x64xf32, #tpu.memory_space<vmem_shared>> -> memref<10112x64xf32, #tpu.memory_space<vmem_shared>>
        tpu.wait_indirect_dma semaphore(%run_scoped3A_123 : memref<!tpu.dma_semaphore, #tpu.memory_space<semaphore_mem>>) src(%arg11 : memref<80x64xf32, #tpu.memory_space<vmem>>) dst(%dma_wait3A_135 : memref<10112x64xf32, #tpu.memory_space<vmem_shared>>)
        tpu.yield
      }) : () -> ()
      %dma_wait3A_115 = arith.constant 249 : i32
      %dma_wait3A_116 = arith.constant 0 : i32
      %dma_wait3A_117 = tpu.memref_slice %arg9[%dma_wait3A_115, %dma_wait3A_116] : memref<250x80xi32, #tpu.memory_space<vmem>> -> memref<1x80xi32, #tpu.memory_space<vmem>>
      %dma_wait3A_118 = tpu.memref_squeeze %dma_wait3A_117 : memref<1x80xi32, #tpu.memory_space<vmem>> -> memref<80xi32, #tpu.memory_space<vmem>>
      %dma_wait3A_119 = arith.constant 0 : i32
      %dma_wait3A_120 = arith.constant 0 : i32
      %dma_wait3A_121 = tpu.memref_slice %arg2[%dma_wait3A_119, %dma_wait3A_120] : memref<10000x64xf32, #tpu.memory_space<hbm>> -> memref<10000x64xf32, #tpu.memory_space<hbm>>
      tpu.wait_indirect_dma semaphore(%arg15 : memref<!tpu.dma_semaphore, #tpu.memory_space<semaphore_mem>>) src(%dma_wait3A_121 : memref<10000x64xf32, #tpu.memory_space<hbm>>) dst(%arg12 : memref<80x64xf32, #tpu.memory_space<vmem>>)
      %run_scoped3A_122 = arith.constant 249 : i32
      "tpu.region"() ({
        %run_scoped3A_123 = tpu.sem_alloc : memref<!tpu.dma_semaphore, #tpu.memory_space<semaphore_mem>>
        %dma_start3A_124 = arith.constant 0 : i32
        %dma_start3A_125 = tpu.memref_slice %arg10[%run_scoped3A_122, %dma_start3A_124] : memref<250x80xi32, #tpu.memory_space<vmem>> -> memref<1x80xi32, #tpu.memory_space<vmem>>
        %dma_start3A_126 = tpu.memref_squeeze %dma_start3A_125 : memref<1x80xi32, #tpu.memory_space<vmem>> -> memref<80xi32, #tpu.memory_space<vmem>>
        %dma_start3A_127 = arith.constant 0 : i32
        %dma_start3A_128 = arith.constant 0 : i32
        %dma_start3A_129 = tpu.memref_slice %arg13[%dma_start3A_127, %dma_start3A_128] : memref<10112x64xf32, #tpu.memory_space<vmem_shared>> -> memref<10112x64xf32, #tpu.memory_space<vmem_shared>>
        tpu.enqueue_indirect_dma source(%arg12 : memref<80x64xf32, #tpu.memory_space<vmem>>) target(%dma_start3A_129 : memref<10112x64xf32, #tpu.memory_space<vmem_shared>>) offsets(%dma_start3A_126 : memref<80xi32, #tpu.memory_space<vmem>>) semaphore(%run_scoped3A_123 : memref<!tpu.dma_semaphore, #tpu.memory_space<semaphore_mem>>) {add = true}
        %dma_wait3A_130 = arith.constant 0 : i32
        %dma_wait3A_131 = tpu.memref_slice %arg10[%run_scoped3A_122, %dma_wait3A_130] : memref<250x80xi32, #tpu.memory_space<vmem>> -> memref<1x80xi32, #tpu.memory_space<vmem>>
        %dma_wait3A_132 = tpu.memref_squeeze %dma_wait3A_131 : memref<1x80xi32, #tpu.memory_space<vmem>> -> memref<80xi32, #tpu.memory_space<vmem>>
        %dma_wait3A_133 = arith.constant 0 : i32
        %dma_wait3A_134 = arith.constant 0 : i32
        %dma_wait3A_135 = tpu.memref_slice %arg13[%dma_wait3A_133, %dma_wait3A_134] : memref<10112x64xf32, #tpu.memory_space<vmem_shared>> -> memref<10112x64xf32, #tpu.memory_space<vmem_shared>>
        tpu.wait_indirect_dma semaphore(%run_scoped3A_123 : memref<!tpu.dma_semaphore, #tpu.memory_space<semaphore_mem>>) src(%arg12 : memref<80x64xf32, #tpu.memory_space<vmem>>) dst(%dma_wait3A_135 : memref<10112x64xf32, #tpu.memory_space<vmem_shared>>)
        tpu.yield
      }) : () -> ()
    } else {
    }
    %eq3A_69 = arith.constant 1 : i32
    %eq3A_70 = arith.cmpi eq, %arg0, %eq3A_69 : i32
    %convert_element_type3A_71 = arith.extui %eq3A_70 : i1 to i32
    %cond3A_72 = arith.constant 0 : i32
    %cond3A_73 = arith.cmpi ne, %convert_element_type3A_71, %cond3A_72 : i32
    scf.if %cond3A_73 {
      %dma_start3A_87 = arith.constant 0 : i32
      %dma_start3A_88 = arith.constant 0 : i32
      %dma_start3A_89 = tpu.memref_slice %arg9[%dma_start3A_87, %dma_start3A_88] : memref<250x80xi32, #tpu.memory_space<vmem>> -> memref<1x80xi32, #tpu.memory_space<vmem>>
      %dma_start3A_90 = tpu.memref_squeeze %dma_start3A_89 : memref<1x80xi32, #tpu.memory_space<vmem>> -> memref<80xi32, #tpu.memory_space<vmem>>
      %dma_start3A_91 = arith.constant 0 : i32
      %dma_start3A_92 = arith.constant 0 : i32
      %dma_start3A_93 = tpu.memref_slice %arg3[%dma_start3A_91, %dma_start3A_92] : memref<10000x64xf32, #tpu.memory_space<hbm>> -> memref<10000x64xf32, #tpu.memory_space<hbm>>
      tpu.enqueue_indirect_dma source(%dma_start3A_93 : memref<10000x64xf32, #tpu.memory_space<hbm>>) target(%arg11 : memref<80x64xf32, #tpu.memory_space<vmem>>) offsets(%dma_start3A_90 : memref<80xi32, #tpu.memory_space<vmem>>) semaphore(%arg14 : memref<!tpu.dma_semaphore, #tpu.memory_space<semaphore_mem>>)
      %dma_start3A_94 = arith.constant 1 : i32
      %dma_start3A_95 = arith.constant 0 : i32
      %dma_start3A_96 = tpu.memref_slice %arg9[%dma_start3A_94, %dma_start3A_95] : memref<250x80xi32, #tpu.memory_space<vmem>> -> memref<1x80xi32, #tpu.memory_space<vmem>>
      %dma_start3A_97 = tpu.memref_squeeze %dma_start3A_96 : memref<1x80xi32, #tpu.memory_space<vmem>> -> memref<80xi32, #tpu.memory_space<vmem>>
      %dma_start3A_98 = arith.constant 0 : i32
      %dma_start3A_99 = arith.constant 0 : i32
      %dma_start3A_100 = tpu.memref_slice %arg3[%dma_start3A_98, %dma_start3A_99] : memref<10000x64xf32, #tpu.memory_space<hbm>> -> memref<10000x64xf32, #tpu.memory_space<hbm>>
      tpu.enqueue_indirect_dma source(%dma_start3A_100 : memref<10000x64xf32, #tpu.memory_space<hbm>>) target(%arg12 : memref<80x64xf32, #tpu.memory_space<vmem>>) offsets(%dma_start3A_97 : memref<80xi32, #tpu.memory_space<vmem>>) semaphore(%arg15 : memref<!tpu.dma_semaphore, #tpu.memory_space<semaphore_mem>>)
      %scan3A_101 = arith.constant 0 : i32
      %scan3A_102 = arith.constant 0 : i32
      %scan3A_103 = arith.constant 124 : i32
      %scan3A_104 = arith.addi %scan3A_102, %scan3A_103 : i32
      %scan3A_105 = arith.constant 1 : i32
      %scan3A_106 = scf.for %scan3A_123 = %scan3A_102 to %scan3A_104 step %scan3A_105 iter_args(%scan3A_124 = %scan3A_101) -> (i32)  : i32 {
        %mul3A_125 = arith.constant 2 : i32
        %mul3A_126 = arith.muli %scan3A_123, %mul3A_125 : i32
        %add3A_127 = arith.constant 0 : i32
        %add3A_128 = arith.addi %mul3A_126, %add3A_127 : i32
        %dma_wait3A_129 = arith.constant 0 : i32
        %dma_wait3A_130 = tpu.memref_slice %arg9[%add3A_128, %dma_wait3A_129] : memref<250x80xi32, #tpu.memory_space<vmem>> -> memref<1x80xi32, #tpu.memory_space<vmem>>
        %dma_wait3A_131 = tpu.memref_squeeze %dma_wait3A_130 : memref<1x80xi32, #tpu.memory_space<vmem>> -> memref<80xi32, #tpu.memory_space<vmem>>
        %dma_wait3A_132 = arith.constant 0 : i32
        %dma_wait3A_133 = arith.constant 0 : i32
        %dma_wait3A_134 = tpu.memref_slice %arg3[%dma_wait3A_132, %dma_wait3A_133] : memref<10000x64xf32, #tpu.memory_space<hbm>> -> memref<10000x64xf32, #tpu.memory_space<hbm>>
        tpu.wait_indirect_dma semaphore(%arg14 : memref<!tpu.dma_semaphore, #tpu.memory_space<semaphore_mem>>) src(%dma_wait3A_134 : memref<10000x64xf32, #tpu.memory_space<hbm>>) dst(%arg11 : memref<80x64xf32, #tpu.memory_space<vmem>>)
        "tpu.region"() ({
          %run_scoped3A_160 = tpu.sem_alloc : memref<!tpu.dma_semaphore, #tpu.memory_space<semaphore_mem>>
          %dma_start3A_161 = arith.constant 0 : i32
          %dma_start3A_162 = tpu.memref_slice %arg10[%add3A_128, %dma_start3A_161] : memref<250x80xi32, #tpu.memory_space<vmem>> -> memref<1x80xi32, #tpu.memory_space<vmem>>
          %dma_start3A_163 = tpu.memref_squeeze %dma_start3A_162 : memref<1x80xi32, #tpu.memory_space<vmem>> -> memref<80xi32, #tpu.memory_space<vmem>>
          %dma_start3A_164 = arith.constant 0 : i32
          %dma_start3A_165 = arith.constant 0 : i32
          %dma_start3A_166 = tpu.memref_slice %arg13[%dma_start3A_164, %dma_start3A_165] : memref<10112x64xf32, #tpu.memory_space<vmem_shared>> -> memref<10112x64xf32, #tpu.memory_space<vmem_shared>>
          tpu.enqueue_indirect_dma source(%arg11 : memref<80x64xf32, #tpu.memory_space<vmem>>) target(%dma_start3A_166 : memref<10112x64xf32, #tpu.memory_space<vmem_shared>>) offsets(%dma_start3A_163 : memref<80xi32, #tpu.memory_space<vmem>>) semaphore(%run_scoped3A_160 : memref<!tpu.dma_semaphore, #tpu.memory_space<semaphore_mem>>) {add = true}
          %dma_wait3A_167 = arith.constant 0 : i32
          %dma_wait3A_168 = tpu.memref_slice %arg10[%add3A_128, %dma_wait3A_167] : memref<250x80xi32, #tpu.memory_space<vmem>> -> memref<1x80xi32, #tpu.memory_space<vmem>>
          %dma_wait3A_169 = tpu.memref_squeeze %dma_wait3A_168 : memref<1x80xi32, #tpu.memory_space<vmem>> -> memref<80xi32, #tpu.memory_space<vmem>>
          %dma_wait3A_170 = arith.constant 0 : i32
          %dma_wait3A_171 = arith.constant 0 : i32
          %dma_wait3A_172 = tpu.memref_slice %arg13[%dma_wait3A_170, %dma_wait3A_171] : memref<10112x64xf32, #tpu.memory_space<vmem_shared>> -> memref<10112x64xf32, #tpu.memory_space<vmem_shared>>
          tpu.wait_indirect_dma semaphore(%run_scoped3A_160 : memref<!tpu.dma_semaphore, #tpu.memory_space<semaphore_mem>>) src(%arg11 : memref<80x64xf32, #tpu.memory_space<vmem>>) dst(%dma_wait3A_172 : memref<10112x64xf32, #tpu.memory_space<vmem_shared>>)
          tpu.yield
        }) : () -> ()
        %add3A_135 = arith.constant 2 : i32
        %add3A_136 = arith.addi %add3A_128, %add3A_135 : i32
        %dma_start3A_137 = arith.constant 0 : i32
        %dma_start3A_138 = tpu.memref_slice %arg9[%add3A_136, %dma_start3A_137] : memref<250x80xi32, #tpu.memory_space<vmem>> -> memref<1x80xi32, #tpu.memory_space<vmem>>
        %dma_start3A_139 = tpu.memref_squeeze %dma_start3A_138 : memref<1x80xi32, #tpu.memory_space<vmem>> -> memref<80xi32, #tpu.memory_space<vmem>>
        %dma_start3A_140 = arith.constant 0 : i32
        %dma_start3A_141 = arith.constant 0 : i32
        %dma_start3A_142 = tpu.memref_slice %arg3[%dma_start3A_140, %dma_start3A_141] : memref<10000x64xf32, #tpu.memory_space<hbm>> -> memref<10000x64xf32, #tpu.memory_space<hbm>>
        tpu.enqueue_indirect_dma source(%dma_start3A_142 : memref<10000x64xf32, #tpu.memory_space<hbm>>) target(%arg11 : memref<80x64xf32, #tpu.memory_space<vmem>>) offsets(%dma_start3A_139 : memref<80xi32, #tpu.memory_space<vmem>>) semaphore(%arg14 : memref<!tpu.dma_semaphore, #tpu.memory_space<semaphore_mem>>)
        %add3A_143 = arith.constant 1 : i32
        %add3A_144 = arith.addi %mul3A_126, %add3A_143 : i32
        %dma_wait3A_145 = arith.constant 0 : i32
        %dma_wait3A_146 = tpu.memref_slice %arg9[%add3A_144, %dma_wait3A_145] : memref<250x80xi32, #tpu.memory_space<vmem>> -> memref<1x80xi32, #tpu.memory_space<vmem>>
        %dma_wait3A_147 = tpu.memref_squeeze %dma_wait3A_146 : memref<1x80xi32, #tpu.memory_space<vmem>> -> memref<80xi32, #tpu.memory_space<vmem>>
        %dma_wait3A_148 = arith.constant 0 : i32
        %dma_wait3A_149 = arith.constant 0 : i32
        %dma_wait3A_150 = tpu.memref_slice %arg3[%dma_wait3A_148, %dma_wait3A_149] : memref<10000x64xf32, #tpu.memory_space<hbm>> -> memref<10000x64xf32, #tpu.memory_space<hbm>>
        tpu.wait_indirect_dma semaphore(%arg15 : memref<!tpu.dma_semaphore, #tpu.memory_space<semaphore_mem>>) src(%dma_wait3A_150 : memref<10000x64xf32, #tpu.memory_space<hbm>>) dst(%arg12 : memref<80x64xf32, #tpu.memory_space<vmem>>)
        "tpu.region"() ({
          %run_scoped3A_160 = tpu.sem_alloc : memref<!tpu.dma_semaphore, #tpu.memory_space<semaphore_mem>>
          %dma_start3A_161 = arith.constant 0 : i32
          %dma_start3A_162 = tpu.memref_slice %arg10[%add3A_144, %dma_start3A_161] : memref<250x80xi32, #tpu.memory_space<vmem>> -> memref<1x80xi32, #tpu.memory_space<vmem>>
          %dma_start3A_163 = tpu.memref_squeeze %dma_start3A_162 : memref<1x80xi32, #tpu.memory_space<vmem>> -> memref<80xi32, #tpu.memory_space<vmem>>
          %dma_start3A_164 = arith.constant 0 : i32
          %dma_start3A_165 = arith.constant 0 : i32
          %dma_start3A_166 = tpu.memref_slice %arg13[%dma_start3A_164, %dma_start3A_165] : memref<10112x64xf32, #tpu.memory_space<vmem_shared>> -> memref<10112x64xf32, #tpu.memory_space<vmem_shared>>
          tpu.enqueue_indirect_dma source(%arg12 : memref<80x64xf32, #tpu.memory_space<vmem>>) target(%dma_start3A_166 : memref<10112x64xf32, #tpu.memory_space<vmem_shared>>) offsets(%dma_start3A_163 : memref<80xi32, #tpu.memory_space<vmem>>) semaphore(%run_scoped3A_160 : memref<!tpu.dma_semaphore, #tpu.memory_space<semaphore_mem>>) {add = true}
          %dma_wait3A_167 = arith.constant 0 : i32
          %dma_wait3A_168 = tpu.memref_slice %arg10[%add3A_144, %dma_wait3A_167] : memref<250x80xi32, #tpu.memory_space<vmem>> -> memref<1x80xi32, #tpu.memory_space<vmem>>
          %dma_wait3A_169 = tpu.memref_squeeze %dma_wait3A_168 : memref<1x80xi32, #tpu.memory_space<vmem>> -> memref<80xi32, #tpu.memory_space<vmem>>
          %dma_wait3A_170 = arith.constant 0 : i32
          %dma_wait3A_171 = arith.constant 0 : i32
          %dma_wait3A_172 = tpu.memref_slice %arg13[%dma_wait3A_170, %dma_wait3A_171] : memref<10112x64xf32, #tpu.memory_space<vmem_shared>> -> memref<10112x64xf32, #tpu.memory_space<vmem_shared>>
          tpu.wait_indirect_dma semaphore(%run_scoped3A_160 : memref<!tpu.dma_semaphore, #tpu.memory_space<semaphore_mem>>) src(%arg12 : memref<80x64xf32, #tpu.memory_space<vmem>>) dst(%dma_wait3A_172 : memref<10112x64xf32, #tpu.memory_space<vmem_shared>>)
          tpu.yield
        }) : () -> ()
        %add3A_151 = arith.constant 2 : i32
        %add3A_152 = arith.addi %add3A_144, %add3A_151 : i32
        %dma_start3A_153 = arith.constant 0 : i32
        %dma_start3A_154 = tpu.memref_slice %arg9[%add3A_152, %dma_start3A_153] : memref<250x80xi32, #tpu.memory_space<vmem>> -> memref<1x80xi32, #tpu.memory_space<vmem>>
        %dma_start3A_155 = tpu.memref_squeeze %dma_start3A_154 : memref<1x80xi32, #tpu.memory_space<vmem>> -> memref<80xi32, #tpu.memory_space<vmem>>
        %dma_start3A_156 = arith.constant 0 : i32
        %dma_start3A_157 = arith.constant 0 : i32
        %dma_start3A_158 = tpu.memref_slice %arg3[%dma_start3A_156, %dma_start3A_157] : memref<10000x64xf32, #tpu.memory_space<hbm>> -> memref<10000x64xf32, #tpu.memory_space<hbm>>
        tpu.enqueue_indirect_dma source(%dma_start3A_158 : memref<10000x64xf32, #tpu.memory_space<hbm>>) target(%arg12 : memref<80x64xf32, #tpu.memory_space<vmem>>) offsets(%dma_start3A_155 : memref<80xi32, #tpu.memory_space<vmem>>) semaphore(%arg15 : memref<!tpu.dma_semaphore, #tpu.memory_space<semaphore_mem>>)
        %scan3A_159 = arith.constant 0 : i32
        scf.yield %scan3A_159 : i32
      }
      %scan3A_107 = arith.constant 124 : i32
      %dma_wait3A_108 = arith.constant 248 : i32
      %dma_wait3A_109 = arith.constant 0 : i32
      %dma_wait3A_110 = tpu.memref_slice %arg9[%dma_wait3A_108, %dma_wait3A_109] : memref<250x80xi32, #tpu.memory_space<vmem>> -> memref<1x80xi32, #tpu.memory_space<vmem>>
      %dma_wait3A_111 = tpu.memref_squeeze %dma_wait3A_110 : memref<1x80xi32, #tpu.memory_space<vmem>> -> memref<80xi32, #tpu.memory_space<vmem>>
      %dma_wait3A_112 = arith.constant 0 : i32
      %dma_wait3A_113 = arith.constant 0 : i32
      %dma_wait3A_114 = tpu.memref_slice %arg3[%dma_wait3A_112, %dma_wait3A_113] : memref<10000x64xf32, #tpu.memory_space<hbm>> -> memref<10000x64xf32, #tpu.memory_space<hbm>>
      tpu.wait_indirect_dma semaphore(%arg14 : memref<!tpu.dma_semaphore, #tpu.memory_space<semaphore_mem>>) src(%dma_wait3A_114 : memref<10000x64xf32, #tpu.memory_space<hbm>>) dst(%arg11 : memref<80x64xf32, #tpu.memory_space<vmem>>)
      %run_scoped3A = arith.constant 248 : i32
      "tpu.region"() ({
        %run_scoped3A_123 = tpu.sem_alloc : memref<!tpu.dma_semaphore, #tpu.memory_space<semaphore_mem>>
        %dma_start3A_124 = arith.constant 0 : i32
        %dma_start3A_125 = tpu.memref_slice %arg10[%run_scoped3A, %dma_start3A_124] : memref<250x80xi32, #tpu.memory_space<vmem>> -> memref<1x80xi32, #tpu.memory_space<vmem>>
        %dma_start3A_126 = tpu.memref_squeeze %dma_start3A_125 : memref<1x80xi32, #tpu.memory_space<vmem>> -> memref<80xi32, #tpu.memory_space<vmem>>
        %dma_start3A_127 = arith.constant 0 : i32
        %dma_start3A_128 = arith.constant 0 : i32
        %dma_start3A_129 = tpu.memref_slice %arg13[%dma_start3A_127, %dma_start3A_128] : memref<10112x64xf32, #tpu.memory_space<vmem_shared>> -> memref<10112x64xf32, #tpu.memory_space<vmem_shared>>
        tpu.enqueue_indirect_dma source(%arg11 : memref<80x64xf32, #tpu.memory_space<vmem>>) target(%dma_start3A_129 : memref<10112x64xf32, #tpu.memory_space<vmem_shared>>) offsets(%dma_start3A_126 : memref<80xi32, #tpu.memory_space<vmem>>) semaphore(%run_scoped3A_123 : memref<!tpu.dma_semaphore, #tpu.memory_space<semaphore_mem>>) {add = true}
        %dma_wait3A_130 = arith.constant 0 : i32
        %dma_wait3A_131 = tpu.memref_slice %arg10[%run_scoped3A, %dma_wait3A_130] : memref<250x80xi32, #tpu.memory_space<vmem>> -> memref<1x80xi32, #tpu.memory_space<vmem>>
        %dma_wait3A_132 = tpu.memref_squeeze %dma_wait3A_131 : memref<1x80xi32, #tpu.memory_space<vmem>> -> memref<80xi32, #tpu.memory_space<vmem>>
        %dma_wait3A_133 = arith.constant 0 : i32
        %dma_wait3A_134 = arith.constant 0 : i32
        %dma_wait3A_135 = tpu.memref_slice %arg13[%dma_wait3A_133, %dma_wait3A_134] : memref<10112x64xf32, #tpu.memory_space<vmem_shared>> -> memref<10112x64xf32, #tpu.memory_space<vmem_shared>>
        tpu.wait_indirect_dma semaphore(%run_scoped3A_123 : memref<!tpu.dma_semaphore, #tpu.memory_space<semaphore_mem>>) src(%arg11 : memref<80x64xf32, #tpu.memory_space<vmem>>) dst(%dma_wait3A_135 : memref<10112x64xf32, #tpu.memory_space<vmem_shared>>)
        tpu.yield
      }) : () -> ()
      %dma_wait3A_115 = arith.constant 249 : i32
      %dma_wait3A_116 = arith.constant 0 : i32
      %dma_wait3A_117 = tpu.memref_slice %arg9[%dma_wait3A_115, %dma_wait3A_116] : memref<250x80xi32, #tpu.memory_space<vmem>> -> memref<1x80xi32, #tpu.memory_space<vmem>>
      %dma_wait3A_118 = tpu.memref_squeeze %dma_wait3A_117 : memref<1x80xi32, #tpu.memory_space<vmem>> -> memref<80xi32, #tpu.memory_space<vmem>>
      %dma_wait3A_119 = arith.constant 0 : i32
      %dma_wait3A_120 = arith.constant 0 : i32
      %dma_wait3A_121 = tpu.memref_slice %arg3[%dma_wait3A_119, %dma_wait3A_120] : memref<10000x64xf32, #tpu.memory_space<hbm>> -> memref<10000x64xf32, #tpu.memory_space<hbm>>
      tpu.wait_indirect_dma semaphore(%arg15 : memref<!tpu.dma_semaphore, #tpu.memory_space<semaphore_mem>>) src(%dma_wait3A_121 : memref<10000x64xf32, #tpu.memory_space<hbm>>) dst(%arg12 : memref<80x64xf32, #tpu.memory_space<vmem>>)
      %run_scoped3A_122 = arith.constant 249 : i32
      "tpu.region"() ({
        %run_scoped3A_123 = tpu.sem_alloc : memref<!tpu.dma_semaphore, #tpu.memory_space<semaphore_mem>>
        %dma_start3A_124 = arith.constant 0 : i32
        %dma_start3A_125 = tpu.memref_slice %arg10[%run_scoped3A_122, %dma_start3A_124] : memref<250x80xi32, #tpu.memory_space<vmem>> -> memref<1x80xi32, #tpu.memory_space<vmem>>
        %dma_start3A_126 = tpu.memref_squeeze %dma_start3A_125 : memref<1x80xi32, #tpu.memory_space<vmem>> -> memref<80xi32, #tpu.memory_space<vmem>>
        %dma_start3A_127 = arith.constant 0 : i32
        %dma_start3A_128 = arith.constant 0 : i32
        %dma_start3A_129 = tpu.memref_slice %arg13[%dma_start3A_127, %dma_start3A_128] : memref<10112x64xf32, #tpu.memory_space<vmem_shared>> -> memref<10112x64xf32, #tpu.memory_space<vmem_shared>>
        tpu.enqueue_indirect_dma source(%arg12 : memref<80x64xf32, #tpu.memory_space<vmem>>) target(%dma_start3A_129 : memref<10112x64xf32, #tpu.memory_space<vmem_shared>>) offsets(%dma_start3A_126 : memref<80xi32, #tpu.memory_space<vmem>>) semaphore(%run_scoped3A_123 : memref<!tpu.dma_semaphore, #tpu.memory_space<semaphore_mem>>) {add = true}
        %dma_wait3A_130 = arith.constant 0 : i32
        %dma_wait3A_131 = tpu.memref_slice %arg10[%run_scoped3A_122, %dma_wait3A_130] : memref<250x80xi32, #tpu.memory_space<vmem>> -> memref<1x80xi32, #tpu.memory_space<vmem>>
        %dma_wait3A_132 = tpu.memref_squeeze %dma_wait3A_131 : memref<1x80xi32, #tpu.memory_space<vmem>> -> memref<80xi32, #tpu.memory_space<vmem>>
        %dma_wait3A_133 = arith.constant 0 : i32
        %dma_wait3A_134 = arith.constant 0 : i32
        %dma_wait3A_135 = tpu.memref_slice %arg13[%dma_wait3A_133, %dma_wait3A_134] : memref<10112x64xf32, #tpu.memory_space<vmem_shared>> -> memref<10112x64xf32, #tpu.memory_space<vmem_shared>>
        tpu.wait_indirect_dma semaphore(%run_scoped3A_123 : memref<!tpu.dma_semaphore, #tpu.memory_space<semaphore_mem>>) src(%arg12 : memref<80x64xf32, #tpu.memory_space<vmem>>) dst(%dma_wait3A_135 : memref<10112x64xf32, #tpu.memory_space<vmem_shared>>)
        tpu.yield
      }) : () -> ()
    } else {
    }
    %barrier3A_74 = arith.constant 0 : index
    tpu.barrier barrier_id(%barrier3A_74)
    %mul3A_75 = arith.constant 632 : i32
    %mul3A_76 = arith.muli %arg1, %mul3A_75 : i32
    %eq3A_77 = arith.constant 0 : i32
    %eq3A_78 = arith.cmpi eq, %arg0, %eq3A_77 : i32
    %convert_element_type3A_79 = arith.extui %eq3A_78 : i1 to i32
    %cond3A_80 = arith.constant 0 : i32
    %cond3A_81 = arith.cmpi ne, %convert_element_type3A_79, %cond3A_80 : i32
    scf.if %cond3A_81 {
      "tpu.region"() ({
        %run_scoped3A = tpu.sem_alloc : memref<!tpu.dma_semaphore, #tpu.memory_space<semaphore_mem>>
        %dma_start3A_87 = arith.constant 0 : i32
        %dma_start3A_88 = tpu.memref_slice %arg6[%mul3A_76, %dma_start3A_87] : memref<10112x64xf32, #tpu.memory_space<hbm>> -> memref<632x64xf32, #tpu.memory_space<hbm>>
        %dma_start3A_89 = arith.constant 0 : i32
        %dma_start3A_90 = tpu.memref_slice %arg13[%mul3A_76, %dma_start3A_89] : memref<10112x64xf32, #tpu.memory_space<vmem_shared>> -> memref<632x64xf32, #tpu.memory_space<vmem_shared>>
        tpu.enqueue_dma source(%dma_start3A_90 : memref<632x64xf32, #tpu.memory_space<vmem_shared>>) target(%dma_start3A_88 : memref<632x64xf32, #tpu.memory_space<hbm>>) target_semaphore(%run_scoped3A : memref<!tpu.dma_semaphore, #tpu.memory_space<semaphore_mem>>)
        %dma_wait3A_91 = arith.constant 0 : i32
        %dma_wait3A_92 = tpu.memref_slice %arg6[%mul3A_76, %dma_wait3A_91] : memref<10112x64xf32, #tpu.memory_space<hbm>> -> memref<632x64xf32, #tpu.memory_space<hbm>>
        %dma_wait3A_93 = arith.constant 0 : i32
        %dma_wait3A_94 = tpu.memref_slice %arg13[%mul3A_76, %dma_wait3A_93] : memref<10112x64xf32, #tpu.memory_space<vmem_shared>> -> memref<632x64xf32, #tpu.memory_space<vmem_shared>>
        tpu.wait_dma2 semaphore(%run_scoped3A : memref<!tpu.dma_semaphore, #tpu.memory_space<semaphore_mem>>) src(%dma_wait3A_94 : memref<632x64xf32, #tpu.memory_space<vmem_shared>>) dst(%dma_wait3A_92 : memref<632x64xf32, #tpu.memory_space<hbm>>)
        tpu.yield
      }) : () -> ()
    } else {
    }
    %eq3A_82 = arith.constant 1 : i32
    %eq3A_83 = arith.cmpi eq, %arg0, %eq3A_82 : i32
    %convert_element_type3A_84 = arith.extui %eq3A_83 : i1 to i32
    %cond3A_85 = arith.constant 0 : i32
    %cond3A_86 = arith.cmpi ne, %convert_element_type3A_84, %cond3A_85 : i32
    scf.if %cond3A_86 {
      "tpu.region"() ({
        %run_scoped3A = tpu.sem_alloc : memref<!tpu.dma_semaphore, #tpu.memory_space<semaphore_mem>>
        %dma_start3A_87 = arith.constant 0 : i32
        %dma_start3A_88 = tpu.memref_slice %arg7[%mul3A_76, %dma_start3A_87] : memref<10112x64xf32, #tpu.memory_space<hbm>> -> memref<632x64xf32, #tpu.memory_space<hbm>>
        %dma_start3A_89 = arith.constant 0 : i32
        %dma_start3A_90 = tpu.memref_slice %arg13[%mul3A_76, %dma_start3A_89] : memref<10112x64xf32, #tpu.memory_space<vmem_shared>> -> memref<632x64xf32, #tpu.memory_space<vmem_shared>>
        tpu.enqueue_dma source(%dma_start3A_90 : memref<632x64xf32, #tpu.memory_space<vmem_shared>>) target(%dma_start3A_88 : memref<632x64xf32, #tpu.memory_space<hbm>>) target_semaphore(%run_scoped3A : memref<!tpu.dma_semaphore, #tpu.memory_space<semaphore_mem>>)
        %dma_wait3A_91 = arith.constant 0 : i32
        %dma_wait3A_92 = tpu.memref_slice %arg7[%mul3A_76, %dma_wait3A_91] : memref<10112x64xf32, #tpu.memory_space<hbm>> -> memref<632x64xf32, #tpu.memory_space<hbm>>
        %dma_wait3A_93 = arith.constant 0 : i32
        %dma_wait3A_94 = tpu.memref_slice %arg13[%mul3A_76, %dma_wait3A_93] : memref<10112x64xf32, #tpu.memory_space<vmem_shared>> -> memref<632x64xf32, #tpu.memory_space<vmem_shared>>
        tpu.wait_dma2 semaphore(%run_scoped3A : memref<!tpu.dma_semaphore, #tpu.memory_space<semaphore_mem>>) src(%dma_wait3A_94 : memref<632x64xf32, #tpu.memory_space<vmem_shared>>) dst(%dma_wait3A_92 : memref<632x64xf32, #tpu.memory_space<hbm>>)
        tpu.yield
      }) : () -> ()
    } else {
    }
    return
  }
}

module attributes {stable_mosaic.version = 14 : i64} {
  func.func @_tc_body(%arg0: i32, %arg1: memref<1000x64xf32, #tpu.memory_space<vmem>>, %arg2: memref<1000x64xf32, #tpu.memory_space<vmem>>, %arg3: memref<128x128xf32, #tpu.memory_space<vmem>>, %arg4: memref<1x128xf32, #tpu.memory_space<vmem>>, %arg5: memref<1000x128xf32, #tpu.memory_space<vmem>>) attributes {dimension_semantics = [#tpu.dimension_semantics<arbitrary>], iteration_bounds = array<i64: 10>, scalar_prefetch = 0 : i64, scratch_operands = 0 : i64, tpu.core_type = #tpu.core_type<tc>, window_params = [{transform_indices = @transform_0, window_bounds = array<i64: 1000, 64>}, {transform_indices = @transform_1, window_bounds = array<i64: 1000, 64>}, {pipeline_mode = #tpu.pipeline_mode<synchronous>, transform_indices = @transform_2, window_bounds = array<i64: 128, 128>}, {pipeline_mode = #tpu.pipeline_mode<synchronous>, transform_indices = @transform_3, window_bounds = array<i64: 1, 128>}, {transform_indices = @transform_4, window_bounds = array<i64: 1000, 128>}]} {
    %get3A = arith.constant 0 : index
    %get3A_0 = arith.constant 0 : index
    %get3A_1 = vector.load %arg1[%get3A, %get3A_0] : memref<1000x64xf32, #tpu.memory_space<vmem>>, vector<1000x64xf32>
    %get3A_2 = arith.constant 0 : index
    %get3A_3 = arith.constant 0 : index
    %get3A_4 = vector.load %arg3[%get3A_2, %get3A_3] : memref<128x128xf32, #tpu.memory_space<vmem>>, vector<64x128xf32>
    %dot_general3A = arith.constant dense<0.000000e+00> : vector<1000x128xf32>
    %dot_general3A_5 = tpu.matmul %get3A_1, %get3A_4, %dot_general3A {dimension_numbers = #tpu.dot_dimension_numbers<[1], [0], [0], [1], [0, 0, 1, 1], [], []>, transpose_lhs_hint = false} : vector<1000x64xf32>, vector<64x128xf32>, vector<1000x128xf32> -> vector<1000x128xf32>
    %get3A_6 = arith.constant 0 : index
    %get3A_7 = arith.constant 0 : index
    %get3A_8 = vector.load %arg2[%get3A_6, %get3A_7] : memref<1000x64xf32, #tpu.memory_space<vmem>>, vector<1000x64xf32>
    %get3A_9 = arith.constant 64 : index
    %get3A_10 = arith.constant 0 : index
    %get3A_11 = vector.load %arg3[%get3A_9, %get3A_10] : memref<128x128xf32, #tpu.memory_space<vmem>>, vector<64x128xf32>
    %dot_general3A_12 = arith.constant dense<0.000000e+00> : vector<1000x128xf32>
    %dot_general3A_13 = tpu.matmul %get3A_8, %get3A_11, %dot_general3A_12 {dimension_numbers = #tpu.dot_dimension_numbers<[1], [0], [0], [1], [0, 0, 1, 1], [], []>, transpose_lhs_hint = false} : vector<1000x64xf32>, vector<64x128xf32>, vector<1000x128xf32> -> vector<1000x128xf32>
    %add3A = arith.addf %dot_general3A_5, %dot_general3A_13 : vector<1000x128xf32>
    %get3A_14 = arith.constant 0 : index
    %get3A_15 = arith.constant 0 : index
    %get3A_16 = vector.load %arg4[%get3A_14, %get3A_15] : memref<1x128xf32, #tpu.memory_space<vmem>>, vector<1x128xf32>
    %add3A_17 = vector.broadcast %get3A_16 : vector<1x128xf32> to vector<1000x128xf32>
    %add3A_18 = arith.addf %add3A, %add3A_17 : vector<1000x128xf32>
    %swap3A = arith.constant 0 : index
    %swap3A_19 = arith.constant 0 : index
    %swap3A_20 = vector.load %arg5[%swap3A, %swap3A_19] : memref<1000x128xf32, #tpu.memory_space<vmem>>, vector<1000x128xf32>
    tpu.vector_store %arg5[%swap3A, %swap3A_19], %add3A_18 {strides = array<i32>} : memref<1000x128xf32, #tpu.memory_space<vmem>>, vector<1000x128xf32>,
    return
  }
  func.func @transform_0(%arg0: i32) -> (i32, i32) {
    %c0_i32 = arith.constant 0 : i32
    %c0_i32_0 = arith.constant 0 : i32
    return %arg0, %c0_i32 : i32, i32
  }
  func.func @transform_1(%arg0: i32) -> (i32, i32) {
    %c0_i32 = arith.constant 0 : i32
    %c0_i32_0 = arith.constant 0 : i32
    return %arg0, %c0_i32 : i32, i32
  }
  func.func @transform_2(%arg0: i32) -> (i32, i32) {
    %c0_i32 = arith.constant 0 : i32
    %c0_i32_0 = arith.constant 0 : i32
    %c0_i32_1 = arith.constant 0 : i32
    return %c0_i32, %c0_i32_0 : i32, i32
  }
  func.func @transform_3(%arg0: i32) -> (i32, i32) {
    %c0_i32 = arith.constant 0 : i32
    %c0_i32_0 = arith.constant 0 : i32
    %c0_i32_1 = arith.constant 0 : i32
    return %c0_i32, %c0_i32_0 : i32, i32
  }
  func.func @transform_4(%arg0: i32) -> (i32, i32) {
    %c0_i32 = arith.constant 0 : i32
    %c0_i32_0 = arith.constant 0 : i32
    return %arg0, %c0_i32 : i32, i32
  }
}

</mosaic_0001>

<sc_bundles>
// kernel: kernel.4.cloned.1.call-start
scs
__scs_entry_jumppad:
0x0: {  	(pc) =	sbr.rel $0x88, $3  }
0x1: {  	(tag) =	ssettag $0x0;
	lr =	simm.s32 $0x1  }
0x2: {  	[smem:$0x3F9D] =	sst lr;
	_ =	strace $0xD0000000  }
0x3: {  	_ = 	snop  }
0x4: {  	_ = 	snop  }
0x5: {  	_ = 	snop  }
0x6: {  	_ = 	snop  }
0x7: {  	_ = 	snop  }
__scs_overlays_trampoline_lowered:
0x8: {  	[smem:$0x3FAC] =	sst s0  }
0x9: {  	[smem:$0x3FAD] =	sst s1  }
0xa: {  	[smem:$0x3FAE] =	sst s2  }
0xb: {  	[smem:$0x3FAF] =	sst s3  }
0xc: {  	[smem:$0x3FB0] =	sst s4  }
0xd: {  	[smem:$0x3FB1] =	sst s5  }
0xe: {  	[smem:$0x3FB2] =	sst s6  }
0xf: {  	[smem:$0x3FB3] =	sst s7  }
0x10: {  	[smem:$0x3FB4] =	sst s8  }
0x11: {  	[smem:$0x3FB5] =	sst s9;
	s0 =	simm.s32 @!p0 $0x0  }
0x12: {  	s1 =	sld [smem:$0x3F9B];
	s0 =	simm.s32 @p0 $0x1  }
0x13: {  	[smem:$0x3FB6] =	sst s0;
	s0 =	simm.s32 @!p1 $0x0  }
0x14: {  	s2 =	sld [smem:$0x3F9A];
	s0 =	simm.s32 @p1 $0x1  }
0x15: {  	[smem:$0x3FB7] =	sst s0;
	s0 =	simm.s32 @!p2 $0x0  }
0x16: {  	s3 =	sld [smem:$0x3FDB];
	s0 =	simm.s32 @p2 $0x1  }
0x17: {  	s4 =	simm.s32 $0x1BF5;
	[smem:$0x3FB9] =	sst s0  }
0x18: {  	s0 =	sld [smem:$0x3F9C];
	_ =	swait.ge [sflag:s4], $0x0  }
0x19: {  	s7 =	sld [smem:$0x3F9D]  }
0x1a: {  	s8 =	sadd.s32 $0xFFFFE003, lr  }
0x1b: {  	s9 =	sadd.s32 $0xFFFFFEF7, lr;
	s5 =	simm.s32 $0xFFFFFFFF;
	p2 =	slt.u32 s8, $0xFFFFF086  }
0x1c: {  	p1 =	slt.u32 s9, $0xF7A;
	s5 =	simm.s32 @!p2 $0x0  }
0x1d: {  	s5 =	simm.s32 @p1 $0x1;
	p0 =	seq.s32 s7, s2  }
0x1e: {  	s7 =	smul.u32 @!p0 $0xF7A, s2;
	p2 =	seq.s32 @!p0 s5, $0x0  }
0x1f: {  	s9 =	smul.u32 $0xF7A, s1;
	s8 =	simm.s32 @!p0 $0x1BF5;
	p2 =	por !p2, p0  }
0x20: {  	[sflag:s8] =	ssyncset.s32 @!p0 $0xFFFFF086;
	s6 =	sadd.s32 @!p0 s3, s7;
	s7 =	simm.s32 @!p0 $0x108  }
0x21: {  	s3 =	sadd.s32 s3, s9;
	s6 =	sadd.s32 @!p0 $0x88, s6;
	s7 =	simm.s32 @p2 $0x1082  }
0x22: {  	[simem:s7], [sflag:s8] =	dma.local @!p0 [hbm:s6], $0xF7A  }
0x23: {  	s9 =	sor.u32 $0xD0000000, s2;
	s6 =	simm.s32 $0x108;
	_ =	swait.ge @!p0 [sflag:s8], $0x0  }
0x24: {  	s3 =	sadd.s32 $0x88, s3;
	s6 =	simm.s32 @!p1 $0x1082;
	[sflag:s4] =	ssyncset.s32 $0xFFFFF086  }
0x25: {  	[simem:s6], [sflag:s4] =	dma.local [hbm:s3], $0xF7A  }
0x26: {  	[smem:$0x3F9D] =	sst s1;
	(tag) =	ssettag s2;
	_ =	strace s9  }
0x27: {  	s1 =	sld [smem:$0x3FAD]  }
0x28: {  	s2 =	sld [smem:$0x3FAE]  }
0x29: {  	s4 =	sld [smem:$0x3FB0]  }
0x2a: {  	p0 =	seq.s32 s5, $0x0;
	s5 =	sld [smem:$0x3FB1]  }
0x2b: {  	s6 =	sld [smem:$0x3FB2]  }
0x2c: {  	s7 =	sld [smem:$0x3FB3]  }
0x2d: {  	s3 =	simm.s32 $0x108;
	s8 =	sld [smem:$0x3FB4]  }
0x2e: {  	s3 =	simm.s32 @!p0 $0x1082;
	s9 =	sld [smem:$0x3FB5]  }
0x2f: {  	lr =	sadd.s32 s0, s3;
	s0 =	sld [smem:$0x3FAC]  }
0x30: {  	s3 =	sld [smem:$0x3FAF]  }
0x31: {  	[smem:$0x3FB8] =	sst s10  }
0x32: {  	s10 =	sld [smem:$0x3FB6];
	_ =	sdelay $0x3  }
0x33: {  	p0 =	seq.s32 s10, $0x1;
	s10 =	sld [smem:$0x3FB8];
	_ =	sdelay $0x3  }
0x34: {  	[smem:$0x3FB8] =	sst s10  }
0x35: {  	s10 =	sld [smem:$0x3FB7];
	_ =	sdelay $0x3  }
0x36: {  	p1 =	seq.s32 s10, $0x1;
	s10 =	sld [smem:$0x3FB8];
	_ =	sdelay $0x3  }
0x37: {  	[smem:$0x3FB8] =	sst s10  }
0x38: {  	s10 =	sld [smem:$0x3FB9]  }
0x39: {  	_ = 	snop;
	(pc) =	sbr.ind lr, $3  }
0x3a: {  	_ = 	snop  }
0x3b: {  	_ = 	snop  }
0x3c: {  	p2 =	seq.s32 s10, $0x1;
	s10 =	sld [smem:$0x3FB8]  }
0x3d: {  	_ =	shalt  }
0x3e: {  	_ =	shalt  }
0x3f: {  	_ =	shalt  }
0x40: {  	_ =	shalt  }
0x41: {  	_ =	shalt  }
0x42: {  	_ =	shalt  }
0x43: {  	_ =	shalt  }
0x44: {  	_ =	shalt  }
0x45: {  	_ =	shalt  }
0x46: {  	_ =	shalt  }
0x47: {  	_ =	shalt  }
0x48: {  	_ =	shalt  }
0x49: {  	_ =	shalt  }
0x4a: {  	_ =	shalt  }
0x4b: {  	_ =	shalt  }
0x4c: {  	_ =	shalt  }
0x4d: {  	_ =	shalt  }
0x4e: {  	_ =	shalt  }
0x4f: {  	_ =	shalt  }
0x50: {  	_ =	shalt  }
0x51: {  	_ =	shalt  }
0x52: {  	_ =	shalt  }
0x53: {  	_ =	shalt  }
0x54: {  	_ =	shalt  }
0x55: {  	_ =	shalt  }
0x56: {  	_ =	shalt  }
0x57: {  	_ =	shalt  }
0x58: {  	_ =	shalt  }
0x59: {  	_ =	shalt  }
0x5a: {  	_ =	shalt  }
0x5b: {  	_ =	shalt  }
0x5c: {  	_ =	shalt  }
0x5d: {  	_ =	shalt  }
0x5e: {  	_ =	shalt  }
0x5f: {  	_ =	shalt  }
0x60: {  	_ =	shalt  }
0x61: {  	_ =	shalt  }
0x62: {  	_ =	shalt  }
0x63: {  	_ =	shalt  }
0x64: {  	_ =	shalt  }
0x65: {  	_ =	shalt  }
0x66: {  	_ =	shalt  }
0x67: {  	_ =	shalt  }
0x68: {  	_ =	shalt  }
0x69: {  	_ =	shalt  }
0x6a: {  	_ =	shalt  }
0x6b: {  	_ =	shalt  }
0x6c: {  	_ =	shalt  }
0x6d: {  	_ =	shalt  }
0x6e: {  	_ =	shalt  }
0x6f: {  	_ =	shalt  }
0x70: {  	_ =	shalt  }
0x71: {  	_ =	shalt  }
0x72: {  	_ =	shalt  }
0x73: {  	_ =	shalt  }
0x74: {  	_ =	shalt  }
0x75: {  	_ =	shalt  }
0x76: {  	_ =	shalt  }
0x77: {  	_ =	shalt  }
0x78: {  	_ =	shalt  }
0x79: {  	_ =	shalt  }
0x7a: {  	_ =	shalt  }
0x7b: {  	_ =	shalt  }
0x7c: {  	_ =	shalt  }
0x7d: {  	_ =	shalt  }
0x7e: {  	_ =	shalt  }
0x7f: {  	_ =	shalt  }
0x80: {  	_ =	shalt  }
0x81: {  	_ =	shalt  }
0x82: {  	_ =	shalt  }
0x83: {  	_ =	shalt  }
0x84: {  	_ =	shalt  }
0x85: {  	_ =	shalt  }
0x86: {  	_ =	shalt  }
0x87: {  	_ =	shalt  }
.Lfunc_end0:
.L_simem_size_0:
called_computation_lowered:
.L_overlay_start_0:
0x88: {  	s2 =	sld [smem:$0x3FD9]  }
0x89: {  	s3 =	sld [smem:$0x3FFE];
	_ =	sdelay $0x1  }
0x8a: {  	s1 =	srdreg.scid  }
0x8b: {  	s0 =	sand.u32 $0x1, s1  }
0x8c: {  	s17 =	sshll.u32 s0, $0xA;
	s2 =	sadd.s32 s3, s2  }
0x8d: {  	s2 =	sadd.s32 s2, s17  }
0x8e: {  	[smem:$0x3FC4] =	sst s2  }
0x8f: {  	_ = 	snop  }
0x90: {  	s2 =	sld [smem:$0x3FD0];
	(tm) =	ssettm $0x1  }
0x91: {  	s18 =	sld [smem:$0x3FFB];
	_ =	sdelay $0x3  }
0x92: {  	_ =	strace s18  }
0x93: {  	s3 =	sld [smem:$0x3FFC];
	_ =	sdelay $0x3  }
0x94: {  	_ =	strace s3  }
0x95: {  	s3 =	sld [smem:$0x3FFD];
	_ =	sdelay $0x3  }
0x96: {  	_ =	strace s3  }
0x97: {  	_ =	strace $0x8FFFFFFF  }
0x98: {  	s19 =	sld [smem:$0x3FDB];
	_ =	sdelay $0x1  }
0x99: {  	s4 =	simm.s32 $_scs_section_size  }
0x9a: {  	s5 =	simm.s32 $_size__tile_overlayer_lowered;
	s6 =	simm.s32 $_tile_overlayer_lowered  }
0x9b: {  	s22 =	simm.s32 $0x1BFF;
	s21 =	sshll.u32 s6, $0x1;
	s3 =	sadd.s32 s4, s19  }
0x9c: {  	s7 =	simm.s32 $0x0;
	s20 =	sshll.u32 s5, $0x1;
	s5 =	sadd.s32 s21, s3  }
0x9d: {  	[timem:s7], [sflag:s22] =	dma.local [hbm:s5], s20  }
0x9e: {  	_ =	swait.ge [sflag:s22], s20  }
0x9f: {  	s4 =	ssub.s32 $0x0, s20;
	[sflag:s22] =	ssyncset.done $0x0  }
0xa0: {  	[sflag:s22] =	ssyncadd.s32 s4;
	_ =	sdelay $0x1  }
0xa1: {  	s23 =	simm.s32 $0x1B8B  }
0xa2: {  	_ =	swait.ge [sflag:s23], $0x1  }
0xa3: {  	[sflag:s23] =	ssyncset.done $0x0  }
0xa4: {  	s25 =	simm.s32 $0x1B8E;
	s24 =	sld [smem:$0x3FFE];
	[sflag:s23] =	ssyncadd.s32 $0xFFFFFFFF  }
0xa5: {  	s26 =	simm.s32 $execute0_lowered;
	[smem:$0x3FD2] =	sst s25  }
0xa6: {  	s5 =	sshll.u32 s26, $0x1;
	_ =	strace $0x80000046;
	[dreg:$0x1] =	wrdreg $0xFFFFFFFF  }
0xa7: {  	s28 =	simm.s32 $_size_execute0_lowered;
	s3 =	sadd.s32 s3, s5;
	[dreg:$0x0] =	wrdreg $0x0  }
0xa8: {  	s5 =	sshll.u32 s28, $0x1;
	[dreg:$0x2] =	wrdreg s3  }
0xa9: {  	[dreg:$0x3] =	wrdreg s5  }
0xaa: {  	[dreg:$0x4] =	wrdreg $0xC0  }
0xab: {  	_ =	task [dreg:s7], $0x5FFFF  }
0xac: {  	[dreg:$0x1] =	wrdreg $0xFFFFFFFF  }
0xad: {  	[dreg:$0x0] =	wrdreg $0x60  }
0xae: {  	[dreg:$0x2] =	wrdreg s24  }
0xaf: {  	[dreg:$0x3] =	wrdreg s2  }
0xb0: {  	[dreg:$0x4] =	wrdreg $0xD8000  }
0xb1: {  	[dreg:$0x5] =	wrdreg $0x9  }
0xb2: {  	_ =	task.clear_ibuf [dreg:s7], $0x6FFFF;
	_ =	strace $0x90000046  }
0xb3: {  	s29 =	simm.s32 $0x9;
	_ =	strace $0x80000048  }
0xb4: {  	_ =	swait.ge [sflag:s29], $0x1  }
0xb5: {  	[sflag:s29] =	ssyncadd.s32 $0xFFFFFFFF  }
0xb6: {  	_ =	strace $0x90000048  }
0xb7: {  	_ =	sfence  }
0xb8: {  	s30 =	sld [smem:$0x0];
	_ =	sdelay $0x2  }
0xb9: {  	s31 =	sshll.u32 s1, $0xD;
	s1 =	sshrl.u32 s1, $0x2  }
0xba: {  	s3 =	sand.u32 $0x4000, s31;
	s1 =	sadd.s32 s1, s30  }
0xbb: {  	s0 =	sor.u32 s3, s0;
	s1 =	sshll.u32 s1, $0x11  }
0xbc: {  	s0 =	sor.u32 s1, s0  }
0xbd: {  	s0 =	sadd.s32 $0x8F2B, s0  }
0xbe: {  	[sflag:s0] =	ssyncadd.remote.s32 $0x1  }
0xbf: {  	_ =	sfence.sel $0xFFFF  }
0xc0: {  	[dreg:$0x0] =	wrdreg $0xFFFFFFFF;
	(pc) =	sbr.abs _section_cstart, $3  }
0xc1: {  	[dreg:$0x1] =	wrdreg $0xFFFFFFFF  }
0xc2: {  	_ =	task.clear_ibuf [dreg:s7], $0x2FFFF;
	_ =	strace $0x9FFFFFFF  }
0xc3: {  	(tm) =	ssettm $0x7FFFFFFF  }
tec
execute0_lowered:
.L_overlay_start_1:
0x0: {  	(tag) =	ssettag $0x1  }
0x1: {  	s0 =	rddreg [dreg:$0x0]  }
0x2: {  	s2 =	rddreg [dreg:$0x2];
	s4 =	simm.s32 $0x0;
	s3 =	stileid.u32  }
0x3: {  	s7 =	srdreg.scid;
	s20 =	simm.s32 $0x13C0;
	s22 =	simm.s32 $0x3  }
0x4: {  	s23 =	simm.s32 $0x1;
	s24 =	simm.s32 $0x2;
	s25 =	simm.s32 $0x50  }
0x5: {  	s28 =	simm.s32 $0x1410;
	s29 =	simm.s32 $0xC400;
	s30 =	simm.s32 $0xAF60  }
0x6: {  	s31 =	simm.s32 $0xAFB0;
	[smem:$0x7FF] =	sst s4;
	s1 =	smul.u32 $0x9C4, s3  }
0x7: {  	s5 =	sadd.s32 $0x28000, s0;
	s6 =	sadd.s32 $0x14600, s0;
	s8 =	smul.u32 $0x27800, s3  }
0x8: {  	s7 =	sand.u32 $0x1, s7;
	s18 =	smul.u32 $0x9E00, s3;
	_ =	strace $0x80000047  }
0x9: {  	s26 =	ssub.s32 $0x2, s7;
	p0 =	sne.s32 s7, $0x0;
	s1 =	sadd.s32 s1, s0  }
0xa: {  	s0 =	sadd.s32 $0x3BA00, s0;
	s9 =	sshrl.u32 s26, $0x1;
	s10 =	sshrl.u32 s8, $0x2  }
0xb: {  	[dreg:$0x4] =	wrdreg s0;
	s0 =	ssub.s32 s26, s9;
	s8 =	sadd.s32 $0xA800, s1  }
.Ltmp0:
0xc: {  	s17 =	sadd.s32 s10, s2;
	s9 =	sadd.s32 $0xA00, s1;
	(pc) =	sbr.rel .LBB2_1-.Ltmp0, $4  }
0xd: {  	s10 =	sadd.s32 s18, s2;
	s18 =	sshrl.u32 s18, $0x3;
	s26 =	simm.s32 $0xB000  }
0xe: {  	s11 =	sadd.s32 $0x13C0, s17;
	s12 =	sadd.s32 $0x2780, s17;
	s13 =	sadd.s32 $0x3B40, s17  }
0xf: {  	s14 =	sadd.s32 $0x4F00, s17;
	s15 =	sadd.s32 $0x62C0, s17;
	s16 =	sadd.s32 $0x7680, s17  }
0x10: {  	v0 =	vimm.f32 $0.0e+00;
	s17 =	sadd.s32 $0x8A40, s17;
	s19 =	smax.u32 s0, $0x1;
	s0 =	simm.s32 $0x0  }
.LBB2_9:
0x11: {  	[tilespmem:s29], [sflag:$0x2] =	stream.indirect.gather [hbm4b:s6+s25], $0x40, s7, s25, $0xb8;
	[tilespmem:$0x17600] =	vst v63  }
0x12: {  	s1 =	rddreg [dreg:$0x4]  }
.LBB2_10:
0x13: {  	_ =	swait.ge [sflag:s23], $0x1400  }
0x14: {  	[sflag:s23] =	ssyncset.done $0x0  }
0x15: {  	[sflag:s23] =	ssyncadd.s32 $0xFFFFEC00  }
0x16: {  	[spmem:s2] =	stream.indirect.scatter.add.f32 [tilespmem:s26], [sflag:$0x3], $0x40, s30, s25, $0xb8;
	[tilespmem:$0x17600] =	vst v63  }
0x17: {  	_ =	swait.ge [sflag:s22], $0x1400  }
0x18: {  	[sflag:s22] =	ssyncset.done $0x0  }
0x19: {  	[sflag:s22] =	ssyncadd.s32 $0xFFFFEC00  }
0x1a: {  	_ =	swait.ge [sflag:s24], $0x1400  }
0x1b: {  	[sflag:s24] =	ssyncset.done $0x0  }
0x1c: {  	[sflag:s24] =	ssyncadd.s32 $0xFFFFEC00  }
0x1d: {  	[spmem:s2] =	stream.indirect.scatter.add.f32 [tilespmem:s29], [sflag:$0x3], $0x40, s31, s25, $0xb8;
	[tilespmem:$0x17600] =	vst v63  }
0x1e: {  	s1 =	sadd.s32 s1, s18;
	_ =	swait.ge [sflag:s22], $0x1400  }
0x1f: {  	s7 =	sshll.u32 s3, $0x6;
	s0 =	sadd.s32 $0x1, s0;
	[sflag:s22] =	ssyncset.done $0x0  }
0x20: {  	s21 =	sshrl.u32 s10, $0x3;
	p1 =	sne.s32 s0, s19;
	[sflag:s22] =	ssyncadd.s32 $0xFFFFEC00  }
.Ltmp1:
0x21: {  	s7 =	sor.u32 $0x1C03, s7;
	[bflag:$0x0] =	sbarrier.arrive $0xFFFF;
	(pc) =	sbr.rel @!p1 .LBB2_11-.Ltmp1, $4  }
0x22: {  	[hbm:s1], [sflag:s7] =	dma.local [spmem:s21], $0x13C0  }
0x23: {  	_ =	swait.ge [sflag:s22], $0x13C0  }
0x24: {  	[sflag:s22] =	ssyncset.done $0x0  }
0x25: {  	[sflag:s22] =	ssyncadd.s32 $0xFFFFEC40  }
.LBB2_1:
0x26: {  	[tilespmem:s20], [sflag:$0x1] =	stream.linear.gather [hbm4b:s8+s4], $0x4E20, $0x38;
	[tilespmem:$0x17600] =	vst v63  }
0x27: {  	s1 =	simm.s32 $0x61E0  }
0x28: {  	[tilespmem:s1], [sflag:$0x2] =	stream.linear.gather [hbm4b:s9+s4], $0x4E20, $0x38;
	[tilespmem:$0x17600] =	vst v63  }
0x29: {  	s7 =	simm.s32 $0x100;
	s1 =	simm.s32 $0x0  }
.LBB2_2:
0x2a: {  	p1 =	sne.s32 s7, $0x4E00;
	[tilespmem:s1+$0x30] =	vst v0;
	s21 =	smov.u32 s7;
	s7 =	sadd.s32 $0x100, s7  }
.Ltmp2:
0x2b: {  	[tilespmem:s1+$0x20] =	vst v0;
	(pc) =	sbr.rel @p1 .LBB2_2-.Ltmp2, $3  }
0x2c: {  	[tilespmem:s1+$0x0] =	vst v0  }
0x2d: {  	[tilespmem:s1+$0x10] =	vst v0;
	_ =	sdelay $0x1  }
0x2e: {  	s1 =	sshra.s32 s21, $0x2  }
0x2f: {  	[tilespmem:s1+$0x30] =	vst v0  }
0x30: {  	[tilespmem:s1+$0x20] =	vst v0  }
0x31: {  	[tilespmem:s1+$0x0] =	vst v0  }
0x32: {  	[tilespmem:s1+$0x10] =	vst v0  }
0x33: {  	[spmem:s10] =	stream.linear.scatter [tilespmem:s4], [sflag:$0x3], $0x13C0, $0x38;
	[tilespmem:$0x17600] =	vst v63  }
0x34: {  	_ =	swait.ge [sflag:s22], $0x13C0  }
0x35: {  	[sflag:s22] =	ssyncset.done $0x0  }
0x36: {  	[sflag:s22] =	ssyncadd.s32 $0xFFFFEC40  }
0x37: {  	[spmem:s11] =	stream.linear.scatter [tilespmem:s4], [sflag:$0x3], $0x13C0, $0x38;
	[tilespmem:$0x17600] =	vst v63  }
0x38: {  	_ =	swait.ge [sflag:s22], $0x13C0  }
0x39: {  	[sflag:s22] =	ssyncset.done $0x0  }
0x3a: {  	[sflag:s22] =	ssyncadd.s32 $0xFFFFEC40  }
0x3b: {  	[spmem:s12] =	stream.linear.scatter [tilespmem:s4], [sflag:$0x3], $0x13C0, $0x38;
	[tilespmem:$0x17600] =	vst v63  }
0x3c: {  	_ =	swait.ge [sflag:s22], $0x13C0  }
0x3d: {  	[sflag:s22] =	ssyncset.done $0x0  }
0x3e: {  	[sflag:s22] =	ssyncadd.s32 $0xFFFFEC40  }
0x3f: {  	[spmem:s13] =	stream.linear.scatter [tilespmem:s4], [sflag:$0x3], $0x13C0, $0x38;
	[tilespmem:$0x17600] =	vst v63  }
0x40: {  	_ =	swait.ge [sflag:s22], $0x13C0  }
0x41: {  	[sflag:s22] =	ssyncset.done $0x0  }
0x42: {  	[sflag:s22] =	ssyncadd.s32 $0xFFFFEC40  }
0x43: {  	[spmem:s14] =	stream.linear.scatter [tilespmem:s4], [sflag:$0x3], $0x13C0, $0x38;
	[tilespmem:$0x17600] =	vst v63  }
0x44: {  	_ =	swait.ge [sflag:s22], $0x13C0  }
0x45: {  	[sflag:s22] =	ssyncset.done $0x0  }
0x46: {  	[sflag:s22] =	ssyncadd.s32 $0xFFFFEC40  }
0x47: {  	[spmem:s15] =	stream.linear.scatter [tilespmem:s4], [sflag:$0x3], $0x13C0, $0x38;
	[tilespmem:$0x17600] =	vst v63  }
0x48: {  	_ =	swait.ge [sflag:s22], $0x13C0  }
0x49: {  	[sflag:s22] =	ssyncset.done $0x0  }
0x4a: {  	[sflag:s22] =	ssyncadd.s32 $0xFFFFEC40  }
0x4b: {  	[spmem:s16] =	stream.linear.scatter [tilespmem:s4], [sflag:$0x3], $0x13C0, $0x38;
	[tilespmem:$0x17600] =	vst v63  }
0x4c: {  	_ =	swait.ge [sflag:s22], $0x13C0  }
0x4d: {  	[sflag:s22] =	ssyncset.done $0x0  }
0x4e: {  	[sflag:s22] =	ssyncadd.s32 $0xFFFFEC40  }
0x4f: {  	[spmem:s17] =	stream.linear.scatter [tilespmem:s4], [sflag:$0x3], $0x13C0, $0x38;
	[tilespmem:$0x17600] =	vst v63  }
0x50: {  	_ =	swait.ge [sflag:s22], $0x13C0  }
0x51: {  	[sflag:s22] =	ssyncset.done $0x0  }
0x52: {  	[sflag:s22] =	ssyncadd.s32 $0xFFFFEC40  }
0x53: {  	_ =	swait.ge [sflag:s23], $0x4E20  }
0x54: {  	[sflag:s23] =	ssyncset.done $0x0  }
0x55: {  	[sflag:s23] =	ssyncadd.s32 $0xFFFFB1E0  }
.Ltmp3:
0x56: {  	_ =	swait.ge [sflag:s24], $0x4E20;
	(pc) =	sbr.rel @p0 .LBB2_7-.Ltmp3, $3  }
0x57: {  	[sflag:s24] =	ssyncset.done $0x0  }
0x58: {  	[sflag:s24] =	ssyncadd.s32 $0xFFFFB1E0  }
0x59: {  	[bflag:$0x0] =	sbarrier.arrive $0xFFFF;
	_ =	sdelay $0x1  }
0x5a: {  	[tilespmem:s26], [sflag:$0x1] =	stream.indirect.gather [hbm4b:s5+s25], $0x40, s20, s25, $0xb8;
	[tilespmem:$0x17600] =	vst v63  }
0x5b: {  	_ = 	snop  }
0x5c: {  	[tilespmem:s29], [sflag:$0x2] =	stream.indirect.gather [hbm4b:s5+s25], $0x40, s28, s25, $0xb8;
	[tilespmem:$0x17600] =	vst v63  }
0x5d: {  	_ =	swait.ge [sflag:s23], $0x1400  }
0x5e: {  	[sflag:s23] =	ssyncset.done $0x0  }
0x5f: {  	s1 =	simm.s32 $0x61E0;
	[sflag:s23] =	ssyncadd.s32 $0xFFFFEC00  }
0x60: {  	[spmem:s2] =	stream.indirect.scatter.add.f32 [tilespmem:s26], [sflag:$0x3], $0x40, s1, s25, $0xb8;
	[tilespmem:$0x17600] =	vst v63  }
0x61: {  	_ =	swait.ge [sflag:s22], $0x1400  }
0x62: {  	[sflag:s22] =	ssyncset.done $0x0  }
0x63: {  	s7 =	simm.s32 $0x1460;
	[sflag:s22] =	ssyncadd.s32 $0xFFFFEC00  }
0x64: {  	[tilespmem:s26], [sflag:$0x1] =	stream.indirect.gather [hbm4b:s5+s25], $0x40, s7, s25, $0xb8;
	[tilespmem:$0x17600] =	vst v63  }
0x65: {  	_ =	swait.ge [sflag:s24], $0x1400  }
0x66: {  	[sflag:s24] =	ssyncset.done $0x0  }
0x67: {  	s21 =	simm.s32 $0x6230;
	[sflag:s24] =	ssyncadd.s32 $0xFFFFEC00  }
0x68: {  	[spmem:s2] =	stream.indirect.scatter.add.f32 [tilespmem:s29], [sflag:$0x3], $0x40, s21, s25, $0xb8;
	[tilespmem:$0x17600] =	vst v63  }
0x69: {  	_ =	swait.ge [sflag:s22], $0x1400  }
0x6a: {  	[sflag:s22] =	ssyncset.done $0x0  }
0x6b: {  	s1 =	simm.s32 $0x280;
	s7 =	simm.s32 $0x14B0;
	[sflag:s22] =	ssyncadd.s32 $0xFFFFEC00  }
.LBB2_5:
0x6c: {  	[tilespmem:s29], [sflag:$0x2] =	stream.indirect.gather [hbm4b:s5+s25], $0x40, s7, s25, $0xb8;
	[tilespmem:$0x17600] =	vst v63  }
0x6d: {  	s7 =	smov.u32 s1  }
0x6e: {  	p1 =	seq.s32 s1, $0x13380;
	s1 =	sadd.s32 $0x280, s1;
	_ =	swait.ge [sflag:s23], $0x1400  }
0x6f: {  	s7 =	sshra.s32 s7, $0x2;
	[sflag:s23] =	ssyncset.done $0x0  }
0x70: {  	s21 =	sadd.s32 $0x61E0, s7;
	[sflag:s23] =	ssyncadd.s32 $0xFFFFEC00  }
0x71: {  	[spmem:s2] =	stream.indirect.scatter.add.f32 [tilespmem:s26], [sflag:$0x3], $0x40, s21, s25, $0xb8;
	[tilespmem:$0x17600] =	vst v63  }
0x72: {  	_ =	swait.ge [sflag:s22], $0x1400  }
0x73: {  	[sflag:s22] =	ssyncset.done $0x0  }
0x74: {  	s21 =	sadd.s32 $0x1460, s7;
	[sflag:s22] =	ssyncadd.s32 $0xFFFFEC00  }
0x75: {  	[tilespmem:s26], [sflag:$0x1] =	stream.indirect.gather [hbm4b:s5+s25], $0x40, s21, s25, $0xb8;
	[tilespmem:$0x17600] =	vst v63  }
0x76: {  	_ =	swait.ge [sflag:s24], $0x1400  }
0x77: {  	[sflag:s24] =	ssyncset.done $0x0  }
.Ltmp4:
0x78: {  	s21 =	sadd.s32 $0x6230, s7;
	[sflag:s24] =	ssyncadd.s32 $0xFFFFEC00;
	(pc) =	sbr.rel @!p1 .LBB2_5-.Ltmp4, $4  }
0x79: {  	[spmem:s2] =	stream.indirect.scatter.add.f32 [tilespmem:s29], [sflag:$0x3], $0x40, s21, s25, $0xb8;
	[tilespmem:$0x17600] =	vst v63  }
0x7a: {  	_ =	swait.ge [sflag:s22], $0x1400  }
0x7b: {  	[sflag:s22] =	ssyncset.done $0x0  }
0x7c: {  	s7 =	sadd.s32 $0x14B0, s7;
	[sflag:s22] =	ssyncadd.s32 $0xFFFFEC00  }
.Ltmp5:
0x7d: {  	(pc) =	sbr.rel .LBB2_10-.Ltmp5, $3  }
0x7e: {  	_ =	sdelay $0x1  }
0x7f: {  	[tilespmem:s29], [sflag:$0x2] =	stream.indirect.gather [hbm4b:s5+s25], $0x40, s7, s25, $0xb8;
	[tilespmem:$0x17600] =	vst v63  }
0x80: {  	s1 =	rddreg [dreg:$0x1]  }
.LBB2_7:
0x81: {  	[tilespmem:s26], [sflag:$0x1] =	stream.indirect.gather [hbm4b:s6+s25], $0x40, s20, s25, $0xb8;
	[tilespmem:$0x17600] =	vst v63  }
0x82: {  	_ = 	snop  }
0x83: {  	[tilespmem:s29], [sflag:$0x2] =	stream.indirect.gather [hbm4b:s6+s25], $0x40, s28, s25, $0xb8;
	[tilespmem:$0x17600] =	vst v63  }
0x84: {  	_ =	swait.ge [sflag:s23], $0x1400  }
0x85: {  	[sflag:s23] =	ssyncset.done $0x0  }
0x86: {  	s1 =	simm.s32 $0x61E0;
	[sflag:s23] =	ssyncadd.s32 $0xFFFFEC00  }
0x87: {  	[spmem:s2] =	stream.indirect.scatter.add.f32 [tilespmem:s26], [sflag:$0x3], $0x40, s1, s25, $0xb8;
	[tilespmem:$0x17600] =	vst v63  }
0x88: {  	_ =	swait.ge [sflag:s22], $0x1400  }
0x89: {  	[sflag:s22] =	ssyncset.done $0x0  }
0x8a: {  	s7 =	simm.s32 $0x1460;
	[sflag:s22] =	ssyncadd.s32 $0xFFFFEC00  }
0x8b: {  	[tilespmem:s26], [sflag:$0x1] =	stream.indirect.gather [hbm4b:s6+s25], $0x40, s7, s25, $0xb8;
	[tilespmem:$0x17600] =	vst v63  }
0x8c: {  	_ =	swait.ge [sflag:s24], $0x1400  }
0x8d: {  	[sflag:s24] =	ssyncset.done $0x0  }
0x8e: {  	s21 =	simm.s32 $0x6230;
	[sflag:s24] =	ssyncadd.s32 $0xFFFFEC00  }
0x8f: {  	[spmem:s2] =	stream.indirect.scatter.add.f32 [tilespmem:s29], [sflag:$0x3], $0x40, s21, s25, $0xb8;
	[tilespmem:$0x17600] =	vst v63  }
0x90: {  	_ =	swait.ge [sflag:s22], $0x1400  }
0x91: {  	[sflag:s22] =	ssyncset.done $0x0  }
0x92: {  	s1 =	simm.s32 $0x280;
	s7 =	simm.s32 $0x14B0;
	[sflag:s22] =	ssyncadd.s32 $0xFFFFEC00  }
.LBB2_8:
0x93: {  	[tilespmem:s29], [sflag:$0x2] =	stream.indirect.gather [hbm4b:s6+s25], $0x40, s7, s25, $0xb8;
	[tilespmem:$0x17600] =	vst v63  }
0x94: {  	s7 =	smov.u32 s1  }
0x95: {  	p1 =	sne.s32 s1, $0x13380;
	s1 =	sadd.s32 $0x280, s1;
	_ =	swait.ge [sflag:s23], $0x1400  }
0x96: {  	s7 =	sshra.s32 s7, $0x2;
	[sflag:s23] =	ssyncset.done $0x0  }
0x97: {  	s21 =	sadd.s32 $0x61E0, s7;
	[sflag:s23] =	ssyncadd.s32 $0xFFFFEC00  }
0x98: {  	[spmem:s2] =	stream.indirect.scatter.add.f32 [tilespmem:s26], [sflag:$0x3], $0x40, s21, s25, $0xb8;
	[tilespmem:$0x17600] =	vst v63  }
0x99: {  	_ =	swait.ge [sflag:s22], $0x1400  }
0x9a: {  	[sflag:s22] =	ssyncset.done $0x0  }
0x9b: {  	s21 =	sadd.s32 $0x1460, s7;
	[sflag:s22] =	ssyncadd.s32 $0xFFFFEC00  }
0x9c: {  	[tilespmem:s26], [sflag:$0x1] =	stream.indirect.gather [hbm4b:s6+s25], $0x40, s21, s25, $0xb8;
	[tilespmem:$0x17600] =	vst v63  }
0x9d: {  	_ =	swait.ge [sflag:s24], $0x1400  }
0x9e: {  	[sflag:s24] =	ssyncset.done $0x0  }
.Ltmp6:
0x9f: {  	s21 =	sadd.s32 $0x6230, s7;
	[sflag:s24] =	ssyncadd.s32 $0xFFFFEC00;
	(pc) =	sbr.rel @p1 .LBB2_8-.Ltmp6, $4  }
0xa0: {  	[spmem:s2] =	stream.indirect.scatter.add.f32 [tilespmem:s29], [sflag:$0x3], $0x40, s21, s25, $0xb8;
	[tilespmem:$0x17600] =	vst v63  }
0xa1: {  	_ =	swait.ge [sflag:s22], $0x1400  }
0xa2: {  	[sflag:s22] =	ssyncset.done $0x0  }
0xa3: {  	s7 =	sadd.s32 $0x14B0, s7;
	[sflag:s22] =	ssyncadd.s32 $0xFFFFEC00  }
.Ltmp7:
0xa4: {  	_ = 	snop;
	(pc) =	sbr.rel .LBB2_9-.Ltmp7, $1  }
0xa5: {  	_ =	sdelay $0x3  }
.LBB2_11:
0xa6: {  	_ =	sfence.sel $0x180000  }
0xa7: {  	[bflag:$0x0] =	sbarrier.arrive $0xFFFF  }
0xa8: {  	_ =	strace $0x90000047  }
0xa9: {  	[bflag:$0x2] =	sbarrier.arrive $0xFFFF  }
0xaa: {  	p0 =	sne.s32 s3, $0x0;
	s0 =	rddreg [dreg:$0x3]  }
0xab: {  	s0 =	sadd.s32 @!p0 $0x100000, s0  }
0xac: {  	[sflag:s0] =	ssyncadd.tile.s32 @!p0 $0x1;
	_ =	shalt  }
.Lfunc_end2:
_tile_overlayer_lowered:
.L_overlay_start_2:
0xad: {  	(tag) =	ssettag $0x2  }
0xae: {  	s0 =	rddreg [dreg:$0x0];
	s2 =	stileid.u32  }
0xaf: {  	s1 =	rddreg [dreg:$0x1];
	p0 =	sne.s32 s2, $0x0  }
0xb0: {  	s3 =	rddreg [dreg:$0x2];
	[bflag:$0x3] =	sbarrier.arrive $0xFFFF;
	s2 =	simm.s32 @!p0 $0x1C03  }
0xb1: {  	[timem:s3], [sflag:s2] =	dma.local @!p0 [hbm:s0], s1  }
0xb2: {  	s0 =	simm.s32 @!p0 $0x3  }
0xb3: {  	_ =	swait.ge @!p0 [sflag:s0], s1  }
0xb4: {  	s1 =	ssub.s32 @!p0 $0x0, s1;
	[sflag:s0] =	ssyncset.done @!p0 $0x0  }
0xb5: {  	[sflag:s0] =	ssyncadd.s32 @!p0 s1  }
0xb6: {  	[bflag:$0x3] =	sbarrier.arrive $0xFFFF  }
0xb7: {  	_ =	shalt  }

</sc_bundles>
